<compile_context>
chip_gen: v7x
topology: tpu7x:2x2x1
jax: 0.10.2.dev20260603
libtpu: 0.0.44.dev20260713+nightly
codegen_flags: <defaults>
</compile_context>

<pallas_src>
import functools

import jax
import jax.numpy as jnp
from jax import lax
from jax.experimental import pallas as pl
from jax.experimental.pallas import tpu as pltpu
from jax.experimental.pallas import tpu_sc as plsc

N_INF = 1024
N_VEH = 4096
D = 256
BV = 512
GRID_A = N_VEH // BV
BIG = 1e6

_NC = 2
_NS = 16
_NW = _NC * _NS
_FPW = N_INF // _NW
_CPW = (N_VEH - N_INF) // _NW


def _stage_ranks(sc_col_ref, sc_row_ref, ranks_ref):
    g = pl.program_id(0)
    si = sc_col_ref[...]
    sj = sc_row_ref[...]
    jj = lax.broadcasted_iota(jnp.int32, (BV, N_VEH), 1)
    ii = lax.broadcasted_iota(jnp.int32, (BV, N_VEH), 0) + g * BV
    cmp = (sj > si) | ((sj == si) & (jj < ii))
    ranks_ref[...] = jnp.sum(cmp.astype(jnp.int32), axis=1, keepdims=True)


def _stage_cost(inf_abs_ref, veh_pts_ref, veh_dims_ref, sc_row_ref,
                infq_ref, wt_ref, b_ref,
                bestval_ref, bestidx_ref, addv_ref):
    g = pl.program_id(0)
    tx = inf_abs_ref[:, 0:1]
    ty = inf_abs_ref[:, 1:2]
    tz = inf_abs_ref[:, 2:3]
    vx = veh_pts_ref[0:1, :] * 102.4 - 51.2
    vy = veh_pts_ref[1:2, :] * 102.4 - 51.2
    vz = veh_pts_ref[2:3, :] * 8.0 - 5.0
    dx = vx - tx
    dy = vy - ty
    dz = vz - tz
    dist = jnp.sqrt(dx * dx + dy * dy + dz * dz + 1e-12)
    dmx = jnp.exp(veh_dims_ref[0:1, :])
    dmy = jnp.exp(veh_dims_ref[1:2, :])
    dmz = jnp.exp(veh_dims_ref[2:3, :])
    ok = ((jnp.abs(dx) / dmx <= 1.0)
          & (jnp.abs(dy) / dmy <= 1.0)
          & (jnp.abs(dz) / dmz <= 1.0))
    svz = sc_row_ref[...]
    cost = jnp.where((svz >= 0.05) & ok, dist, BIG)
    m = jnp.min(cost, axis=1, keepdims=True)
    lanes = lax.broadcasted_iota(jnp.int32, (N_INF, BV), 1)
    idx = jnp.min(jnp.where(cost == m, lanes, N_VEH), axis=1,
                  keepdims=True) + g * BV

    @pl.when(g == 0)
    def _():
        bestval_ref[...] = m
        bestidx_ref[...] = idx

    @pl.when(g > 0)
    def _():
        prev = bestval_ref[...]
        better = m < prev
        bestidx_ref[...] = jnp.where(better, idx, bestidx_ref[...])
        bestval_ref[...] = jnp.where(better, m, prev)

    @pl.when(g == GRID_A - 1)
    def _():
        proj = jnp.dot(infq_ref[...], wt_ref[...],
                       preferred_element_type=jnp.float32,
                       precision=lax.Precision.HIGHEST) + b_ref[...]
        accept = bestval_ref[...] < 1e5
        addv_ref[...] = jnp.where(accept, proj, 0.0)


def _sc_comp(vfeats_hbm, ranks_hbm, out_hbm, ranks_v, idxc_v, rowsc_v, semc):
    wid = lax.axis_index("s") * _NC + lax.axis_index("c")
    cbase = wid * _CPW
    pltpu.sync_copy(ranks_hbm.at[:], ranks_v)

    def _perm_step(t, _):
        r = ranks_v[pl.ds(t * 16, 16)] - cbase
        vals = lax.broadcasted_iota(jnp.int32, (16,), 0) + t * 16
        mask = (r >= 0) & (r < _CPW)
        r = jnp.where(mask, r, 0)
        plsc.store_scatter(idxc_v, [r], vals, mask=mask)
        return _

    lax.fori_loop(0, N_VEH // 16, _perm_step, 0)
    pltpu.async_copy(vfeats_hbm.at[idxc_v], rowsc_v, semc).wait()
    pltpu.sync_copy(rowsc_v, out_hbm.at[pl.ds(cbase, _CPW)])


def _sc_fused(vfeats_hbm, vidx_hbm, addv_hbm, out_hbm,
              idxf_v, rowsf_v, add_v, semi, sema, semf):
    wid = lax.axis_index("s") * _NC + lax.axis_index("c")
    fbase = wid * _FPW
    ci = pltpu.async_copy(vidx_hbm.at[pl.ds(fbase, _FPW)], idxf_v, semi)
    ca = pltpu.async_copy(addv_hbm.at[pl.ds(fbase, _FPW)], add_v, sema)
    ci.wait()
    cf = pltpu.async_copy(vfeats_hbm.at[idxf_v], rowsf_v, semf)
    cf.wait()
    ca.wait()

    def _add_row(r, _):
        for j in range(D // 16):
            sl = pl.ds(j * 16, 16)
            rowsf_v[r, sl] = rowsf_v[r, sl] + add_v[r, sl]
        return _

    lax.fori_loop(0, _FPW, _add_row, 0)
    pltpu.sync_copy(rowsf_v, out_hbm.at[pl.ds(fbase, _FPW)])


def kernel(inf_ref_pts, inf_query_feats, veh_ref_pts, veh_query_feats,
           veh_scores, veh_pred_dims, veh2inf_rt, W_fusion, b_fusion):
    calib = jnp.linalg.inv(veh2inf_rt.T)
    _pts = jnp.concatenate([inf_ref_pts[:, 0:1] * 102.4 - 51.2,
                            inf_ref_pts[:, 1:2] * 102.4 - 51.2,
                            inf_ref_pts[:, 2:3] * 8.0 - 5.0], axis=1)
    _homo = jnp.concatenate([_pts, jnp.ones((N_INF, 1), jnp.float32)], axis=1)
    inf_abs = (_homo @ calib.T)[:, :3]

    ranks = pl.pallas_call(
        _stage_ranks,
        grid=(GRID_A,),
        in_specs=[
            pl.BlockSpec((BV, 1), lambda g: (g, 0)),
            pl.BlockSpec((1, N_VEH), lambda g: (0, 0)),
        ],
        out_specs=pl.BlockSpec((BV, 1), lambda g: (g, 0)),
        out_shape=jax.ShapeDtypeStruct((N_VEH, 1), jnp.int32),
    )(veh_scores.reshape(N_VEH, 1), veh_scores.reshape(1, N_VEH))

    comp_kernel = functools.partial(
        pl.kernel,
        out_type=jax.ShapeDtypeStruct((N_VEH - N_INF, D), jnp.float32),
        mesh=plsc.VectorSubcoreMesh(core_axis_name="c", subcore_axis_name="s"),
        compiler_params=pltpu.CompilerParams(needs_layout_passes=False),
        scratch_types=[
            pltpu.VMEM((N_VEH,), jnp.int32),
            pltpu.VMEM((_CPW,), jnp.int32),
            pltpu.VMEM((_CPW, D), jnp.float32),
            pltpu.SemaphoreType.DMA,
        ],
    )(_sc_comp)
    out_comp = comp_kernel(veh_query_feats, ranks.reshape(N_VEH))

    bestval, bestidx, addv = pl.pallas_call(
        _stage_cost,
        grid=(GRID_A,),
        in_specs=[
            pl.BlockSpec((N_INF, 3), lambda g: (0, 0)),
            pl.BlockSpec((3, BV), lambda g: (0, g)),
            pl.BlockSpec((3, BV), lambda g: (0, g)),
            pl.BlockSpec((1, BV), lambda g: (0, g)),
            pl.BlockSpec((N_INF, D), lambda g: (0, 0)),
            pl.BlockSpec((D, D), lambda g: (0, 0)),
            pl.BlockSpec((1, D), lambda g: (0, 0)),
        ],
        out_specs=[
            pl.BlockSpec((N_INF, 1), lambda g: (0, 0)),
            pl.BlockSpec((N_INF, 1), lambda g: (0, 0)),
            pl.BlockSpec((N_INF, D), lambda g: (0, 0)),
        ],
        out_shape=[
            jax.ShapeDtypeStruct((N_INF, 1), jnp.float32),
            jax.ShapeDtypeStruct((N_INF, 1), jnp.int32),
            jax.ShapeDtypeStruct((N_INF, D), jnp.float32),
        ],
    )(inf_abs, veh_ref_pts.T, veh_pred_dims.T, veh_scores.reshape(1, N_VEH),
      inf_query_feats, W_fusion.T, b_fusion.reshape(1, D))

    fused_kernel = functools.partial(
        pl.kernel,
        out_type=jax.ShapeDtypeStruct((N_INF, D), jnp.float32),
        mesh=plsc.VectorSubcoreMesh(core_axis_name="c", subcore_axis_name="s"),
        compiler_params=pltpu.CompilerParams(needs_layout_passes=False),
        scratch_types=[
            pltpu.VMEM((_FPW,), jnp.int32),
            pltpu.VMEM((_FPW, D), jnp.float32),
            pltpu.VMEM((_FPW, D), jnp.float32),
            pltpu.SemaphoreType.DMA,
            pltpu.SemaphoreType.DMA,
            pltpu.SemaphoreType.DMA,
        ],
    )(_sc_fused)
    out_fused = fused_kernel(veh_query_feats, bestidx.reshape(N_INF), addv)

    return jnp.concatenate([out_fused, out_comp], axis=0)

# --- scband reference (transcript-rebuilt; emitter-appended) ---
"""Pipeline reference for scband-cross-agent-sparse-interaction-70291434766885 (READ-ONLY COPY).

The authoritative reference and input builder live on the scoring server;
editing this copy changes nothing except your own understanding.
"""

import jax, jax.numpy as jnp
import numpy as np

PC_RANGE = (-51.2, -51.2, -5.0, 51.2, 51.2, 3.0)
INF_PC_RANGE = (-51.2, -51.2, -5.0, 51.2, 51.2, 3.0)


def _loc_denorm(pts, pc):
    x = pts[:, 0:1] * (pc[3] - pc[0]) + pc[0]
    y = pts[:, 1:2] * (pc[4] - pc[1]) + pc[1]
    z = pts[:, 2:3] * (pc[5] - pc[2]) + pc[2]
    return jnp.concatenate([x, y, z], axis=-1)


def setup_inputs(seed: int = 0):
    key = jax.random.key(seed)
    ks = jax.random.split(key, 10)
    N_INF, N_VEH, D = 1024, 4096, 256
    veh2inf_rt = jnp.eye(4, dtype=jnp.float32) + 0.01 * jax.random.normal(ks[6], (4, 4), dtype=jnp.float32)
    return {
        "inf_ref_pts": jax.random.uniform(ks[0], (N_INF, 3), dtype=jnp.float32),
        "inf_query_feats": jax.random.normal(ks[1], (N_INF, D), dtype=jnp.float32),
        "veh_ref_pts": jax.random.uniform(ks[2], (N_VEH, 3), dtype=jnp.float32),
        "veh_query_feats": jax.random.normal(ks[3], (N_VEH, D), dtype=jnp.float32),
        "veh_scores": jax.random.uniform(ks[4], (N_VEH,), dtype=jnp.float32),
        "veh_pred_dims": 0.3 * jax.random.normal(ks[5], (N_VEH, 3), dtype=jnp.float32),
        "veh2inf_rt": veh2inf_rt,
        "W_fusion": jax.random.normal(ks[7], (D, D), dtype=jnp.float32) / jnp.sqrt(D),
        "b_fusion": jnp.zeros((D,), dtype=jnp.float32),
    }


def reference(inf_ref_pts, inf_query_feats, veh_ref_pts, veh_query_feats, veh_scores, veh_pred_dims, veh2inf_rt, W_fusion, b_fusion):
    n_inf = inf_ref_pts.shape[0]
    n_veh = veh_ref_pts.shape[0]
    # normalized -> absolute coords (denorm) for both agents
    inf_pts = _loc_denorm(inf_ref_pts, INF_PC_RANGE)
    veh_pts = _loc_denorm(veh_ref_pts, PC_RANGE)
    # inf -> veh coordinate transform: inv(veh2inf_rt.T) applied to homogeneous points
    calib_inf2veh = jnp.linalg.inv(veh2inf_rt.T)
    homo = jnp.concatenate([inf_pts, jnp.ones_like(inf_pts[:, :1])], axis=-1)
    inf_pts = (homo @ calib_inf2veh.T)[:, :3]
    # pairwise distance / dimension-normalized filter (the _query_matching cost matrix)
    diff = veh_pts[:, None, :] - inf_pts[None, :, :]
    distances = jnp.sqrt(jnp.sum(diff * diff, axis=-1) + 1e-12)
    dims = jnp.exp(veh_pred_dims)[:, None, :]
    ndiff = jnp.abs(diff) / dims
    filter_mask = (ndiff[..., 0] <= 1.0) & (ndiff[..., 1] <= 1.0) & (ndiff[..., 2] <= 1.0)
    veh_mask = veh_scores >= 0.05
    BIG = 1e6
    cost = jnp.where(veh_mask[:, None] & filter_mask, distances, BIG)
    # nearest-veh-query retrieval per inf query (jittable stand-in for Hungarian assignment)
    veh_idx = jnp.argmin(cost, axis=0)
    match_cost = jnp.take_along_axis(cost, veh_idx[None, :], axis=0)[0]
    accept = match_cost < 1e5
    # _query_fusion: matched veh feats + Linear(inf feats)
    matched_veh_feats = jnp.take(veh_query_feats, veh_idx, axis=0)
    fused = matched_veh_feats + (inf_query_feats @ W_fusion.T + b_fusion)
    fused = jnp.where(accept[:, None], fused, matched_veh_feats)
    # _query_complementation: keep top-(n_veh - n_inf) remaining veh queries by score
    select_num = n_veh - n_inf
    _, topk_idx = jax.lax.top_k(veh_scores, select_num)
    comp_feats = jnp.take(veh_query_feats, topk_idx, axis=0)
    out = jnp.concatenate([fused, comp_feats], axis=0)
    return out

if __name__ == "__main__":
    import jax
    _d = setup_inputs()
    print(jax.jit(kernel)(*tuple(_d.values())))

</pallas_src>

<mosaic_0001>
#map = affine_map<(d0, d1) -> (0, 0)>
#map1 = affine_map<(d0, d1) -> (0)>
module attributes {stable_mosaic.version = 14 : i64} {
  func.func @_sc_fused(%arg0: i32, %arg1: i32, %arg2: memref<4096x256xf32, #tpu.memory_space<hbm>>, %arg3: memref<1024xi32, #tpu.memory_space<hbm>>, %arg4: memref<1024x256xf32, #tpu.memory_space<hbm>>, %arg5: memref<1024x256xf32, #tpu.memory_space<hbm>>, %arg6: memref<32xi32, #tpu.memory_space<vmem>>, %arg7: memref<32x256xf32, #tpu.memory_space<vmem>>, %arg8: memref<32x256xf32, #tpu.memory_space<vmem>>, %arg9: memref<!tpu.dma_semaphore, #tpu.memory_space<semaphore_mem>>, %arg10: memref<!tpu.dma_semaphore, #tpu.memory_space<semaphore_mem>>, %arg11: memref<!tpu.dma_semaphore, #tpu.memory_space<semaphore_mem>>) attributes {dimension_semantics = [#tpu.dimension_semantics<core_parallel>, #tpu.dimension_semantics<subcore_parallel>], iteration_bounds = array<i64: 2, 16>, scalar_prefetch = 0 : i64, scratch_operands = 6 : i64, tpu.core_type = #tpu.core_type<sc_vector_subcore>, window_params = [{transform_indices = #map}, {transform_indices = #map1}, {transform_indices = #map}, {transform_indices = #map}]} {
    %mul3A = arith.constant 2 : i32
    %mul3A_0 = arith.muli %arg1, %mul3A : i32
    %add3A = arith.addi %mul3A_0, %arg0 : i32
    %mul3A_1 = arith.constant 32 : i32
    %mul3A_2 = arith.muli %add3A, %mul3A_1 : i32
    %dma_start3A = tpu.memref_slice %arg3[%mul3A_2] : memref<1024xi32, #tpu.memory_space<hbm>> -> memref<32xi32, #tpu.memory_space<hbm>>
    %dma_start3A_3 = tpu.memref_slice %arg3[%mul3A_2] : memref<1024xi32, #tpu.memory_space<hbm>> -> memref<32xi32, #tpu.memory_space<hbm>>
    tpu.enqueue_dma source(%dma_start3A_3 : memref<32xi32, #tpu.memory_space<hbm>>) target(%arg6 : memref<32xi32, #tpu.memory_space<vmem>>) target_semaphore(%arg9 : memref<!tpu.dma_semaphore, #tpu.memory_space<semaphore_mem>>)
    %dma_start3A_4 = arith.constant 0 : i32
    %dma_start3A_5 = tpu.memref_slice %arg4[%mul3A_2, %dma_start3A_4] : memref<1024x256xf32, #tpu.memory_space<hbm>> -> memref<32x256xf32, #tpu.memory_space<hbm>>
    %dma_start3A_6 = arith.constant 0 : i32
    %dma_start3A_7 = tpu.memref_slice %arg4[%mul3A_2, %dma_start3A_6] : memref<1024x256xf32, #tpu.memory_space<hbm>> -> memref<32x256xf32, #tpu.memory_space<hbm>>
    tpu.enqueue_dma source(%dma_start3A_7 : memref<32x256xf32, #tpu.memory_space<hbm>>) target(%arg8 : memref<32x256xf32, #tpu.memory_space<vmem>>) target_semaphore(%arg10 : memref<!tpu.dma_semaphore, #tpu.memory_space<semaphore_mem>>)
    %dma_wait3A = tpu.memref_slice %arg3[%mul3A_2] : memref<1024xi32, #tpu.memory_space<hbm>> -> memref<32xi32, #tpu.memory_space<hbm>>
    %dma_wait3A_8 = tpu.memref_slice %arg3[%mul3A_2] : memref<1024xi32, #tpu.memory_space<hbm>> -> memref<32xi32, #tpu.memory_space<hbm>>
    tpu.wait_dma2 semaphore(%arg9 : memref<!tpu.dma_semaphore, #tpu.memory_space<semaphore_mem>>) src(%dma_wait3A_8 : memref<32xi32, #tpu.memory_space<hbm>>) dst(%arg6 : memref<32xi32, #tpu.memory_space<vmem>>)
    %dma_start3A_9 = arith.constant 0 : i32
    %dma_start3A_10 = arith.constant 0 : i32
    %dma_start3A_11 = tpu.memref_slice %arg2[%dma_start3A_9, %dma_start3A_10] : memref<4096x256xf32, #tpu.memory_space<hbm>> -> memref<4096x256xf32, #tpu.memory_space<hbm>>
    tpu.enqueue_indirect_dma source(%dma_start3A_11 : memref<4096x256xf32, #tpu.memory_space<hbm>>) target(%arg7 : memref<32x256xf32, #tpu.memory_space<vmem>>) offsets(%arg6 : memref<32xi32, #tpu.memory_space<vmem>>) semaphore(%arg11 : memref<!tpu.dma_semaphore, #tpu.memory_space<semaphore_mem>>)
    %dma_wait3A_12 = arith.constant 0 : i32
    %dma_wait3A_13 = arith.constant 0 : i32
    %dma_wait3A_14 = tpu.memref_slice %arg2[%dma_wait3A_12, %dma_wait3A_13] : memref<4096x256xf32, #tpu.memory_space<hbm>> -> memref<4096x256xf32, #tpu.memory_space<hbm>>
    tpu.wait_indirect_dma semaphore(%arg11 : memref<!tpu.dma_semaphore, #tpu.memory_space<semaphore_mem>>) src(%dma_wait3A_14 : memref<4096x256xf32, #tpu.memory_space<hbm>>) dst(%arg7 : memref<32x256xf32, #tpu.memory_space<vmem>>)
    %dma_wait3A_15 = arith.constant 0 : i32
    %dma_wait3A_16 = tpu.memref_slice %arg4[%mul3A_2, %dma_wait3A_15] : memref<1024x256xf32, #tpu.memory_space<hbm>> -> memref<32x256xf32, #tpu.memory_space<hbm>>
    %dma_wait3A_17 = arith.constant 0 : i32
    %dma_wait3A_18 = tpu.memref_slice %arg4[%mul3A_2, %dma_wait3A_17] : memref<1024x256xf32, #tpu.memory_space<hbm>> -> memref<32x256xf32, #tpu.memory_space<hbm>>
    tpu.wait_dma2 semaphore(%arg10 : memref<!tpu.dma_semaphore, #tpu.memory_space<semaphore_mem>>) src(%dma_wait3A_18 : memref<32x256xf32, #tpu.memory_space<hbm>>) dst(%arg8 : memref<32x256xf32, #tpu.memory_space<vmem>>)
    %scan3A = arith.constant 0 : i32
    %scan3A_19 = arith.constant 0 : i32
    %scan3A_20 = arith.constant 32 : i32
    %scan3A_21 = arith.addi %scan3A_19, %scan3A_20 : i32
    %scan3A_22 = arith.constant 1 : i32
    scf.for %scan3A_24 = %scan3A_19 to %scan3A_21 step %scan3A_22  : i32 {
      %get3A = arith.index_cast %scan3A_24 : i32 to index
      %get3A_25 = arith.constant 0 : index
      %get3A_26 = tpu.vector_load %arg7[%get3A, %get3A_25] {strides = array<i32>} : memref<32x256xf32, #tpu.memory_space<vmem>>, vector<16xf32>,
      %get3A_27 = arith.index_cast %scan3A_24 : i32 to index
      %get3A_28 = arith.constant 0 : index
      %get3A_29 = tpu.vector_load %arg8[%get3A_27, %get3A_28] {strides = array<i32>} : memref<32x256xf32, #tpu.memory_space<vmem>>, vector<16xf32>,
      %add3A_30 = arith.addf %get3A_26, %get3A_29 : vector<16xf32>
      %swap3A = arith.index_cast %scan3A_24 : i32 to index
      %swap3A_31 = arith.constant 0 : index
      %swap3A_32 = tpu.vector_load %arg7[%swap3A, %swap3A_31] {strides = array<i32>} : memref<32x256xf32, #tpu.memory_space<vmem>>, vector<16xf32>,
      tpu.vector_store %arg7[%swap3A, %swap3A_31], %add3A_30 {strides = array<i32>} : memref<32x256xf32, #tpu.memory_space<vmem>>, vector<16xf32>,
      %get3A_33 = arith.index_cast %scan3A_24 : i32 to index
      %get3A_34 = arith.constant 16 : index
      %get3A_35 = tpu.vector_load %arg7[%get3A_33, %get3A_34] {strides = array<i32>} : memref<32x256xf32, #tpu.memory_space<vmem>>, vector<16xf32>,
      %get3A_36 = arith.index_cast %scan3A_24 : i32 to index
      %get3A_37 = arith.constant 16 : index
      %get3A_38 = tpu.vector_load %arg8[%get3A_36, %get3A_37] {strides = array<i32>} : memref<32x256xf32, #tpu.memory_space<vmem>>, vector<16xf32>,
      %add3A_39 = arith.addf %get3A_35, %get3A_38 : vector<16xf32>
      %swap3A_40 = arith.index_cast %scan3A_24 : i32 to index
      %swap3A_41 = arith.constant 16 : index
      %swap3A_42 = tpu.vector_load %arg7[%swap3A_40, %swap3A_41] {strides = array<i32>} : memref<32x256xf32, #tpu.memory_space<vmem>>, vector<16xf32>,
      tpu.vector_store %arg7[%swap3A_40, %swap3A_41], %add3A_39 {strides = array<i32>} : memref<32x256xf32, #tpu.memory_space<vmem>>, vector<16xf32>,
      %get3A_43 = arith.index_cast %scan3A_24 : i32 to index
      %get3A_44 = arith.constant 32 : index
      %get3A_45 = tpu.vector_load %arg7[%get3A_43, %get3A_44] {strides = array<i32>} : memref<32x256xf32, #tpu.memory_space<vmem>>, vector<16xf32>,
      %get3A_46 = arith.index_cast %scan3A_24 : i32 to index
      %get3A_47 = arith.constant 32 : index
      %get3A_48 = tpu.vector_load %arg8[%get3A_46, %get3A_47] {strides = array<i32>} : memref<32x256xf32, #tpu.memory_space<vmem>>, vector<16xf32>,
      %add3A_49 = arith.addf %get3A_45, %get3A_48 : vector<16xf32>
      %swap3A_50 = arith.index_cast %scan3A_24 : i32 to index
      %swap3A_51 = arith.constant 32 : index
      %swap3A_52 = tpu.vector_load %arg7[%swap3A_50, %swap3A_51] {strides = array<i32>} : memref<32x256xf32, #tpu.memory_space<vmem>>, vector<16xf32>,
      tpu.vector_store %arg7[%swap3A_50, %swap3A_51], %add3A_49 {strides = array<i32>} : memref<32x256xf32, #tpu.memory_space<vmem>>, vector<16xf32>,
      %get3A_53 = arith.index_cast %scan3A_24 : i32 to index
      %get3A_54 = arith.constant 48 : index
      %get3A_55 = tpu.vector_load %arg7[%get3A_53, %get3A_54] {strides = array<i32>} : memref<32x256xf32, #tpu.memory_space<vmem>>, vector<16xf32>,
      %get3A_56 = arith.index_cast %scan3A_24 : i32 to index
      %get3A_57 = arith.constant 48 : index
      %get3A_58 = tpu.vector_load %arg8[%get3A_56, %get3A_57] {strides = array<i32>} : memref<32x256xf32, #tpu.memory_space<vmem>>, vector<16xf32>,
      %add3A_59 = arith.addf %get3A_55, %get3A_58 : vector<16xf32>
      %swap3A_60 = arith.index_cast %scan3A_24 : i32 to index
      %swap3A_61 = arith.constant 48 : index
      %swap3A_62 = tpu.vector_load %arg7[%swap3A_60, %swap3A_61] {strides = array<i32>} : memref<32x256xf32, #tpu.memory_space<vmem>>, vector<16xf32>,
      tpu.vector_store %arg7[%swap3A_60, %swap3A_61], %add3A_59 {strides = array<i32>} : memref<32x256xf32, #tpu.memory_space<vmem>>, vector<16xf32>,
      %get3A_63 = arith.index_cast %scan3A_24 : i32 to index
      %get3A_64 = arith.constant 64 : index
      %get3A_65 = tpu.vector_load %arg7[%get3A_63, %get3A_64] {strides = array<i32>} : memref<32x256xf32, #tpu.memory_space<vmem>>, vector<16xf32>,
      %get3A_66 = arith.index_cast %scan3A_24 : i32 to index
      %get3A_67 = arith.constant 64 : index
      %get3A_68 = tpu.vector_load %arg8[%get3A_66, %get3A_67] {strides = array<i32>} : memref<32x256xf32, #tpu.memory_space<vmem>>, vector<16xf32>,
      %add3A_69 = arith.addf %get3A_65, %get3A_68 : vector<16xf32>
      %swap3A_70 = arith.index_cast %scan3A_24 : i32 to index
      %swap3A_71 = arith.constant 64 : index
      %swap3A_72 = tpu.vector_load %arg7[%swap3A_70, %swap3A_71] {strides = array<i32>} : memref<32x256xf32, #tpu.memory_space<vmem>>, vector<16xf32>,
      tpu.vector_store %arg7[%swap3A_70, %swap3A_71], %add3A_69 {strides = array<i32>} : memref<32x256xf32, #tpu.memory_space<vmem>>, vector<16xf32>,
      %get3A_73 = arith.index_cast %scan3A_24 : i32 to index
      %get3A_74 = arith.constant 80 : index
      %get3A_75 = tpu.vector_load %arg7[%get3A_73, %get3A_74] {strides = array<i32>} : memref<32x256xf32, #tpu.memory_space<vmem>>, vector<16xf32>,
      %get3A_76 = arith.index_cast %scan3A_24 : i32 to index
      %get3A_77 = arith.constant 80 : index
      %get3A_78 = tpu.vector_load %arg8[%get3A_76, %get3A_77] {strides = array<i32>} : memref<32x256xf32, #tpu.memory_space<vmem>>, vector<16xf32>,
      %add3A_79 = arith.addf %get3A_75, %get3A_78 : vector<16xf32>
      %swap3A_80 = arith.index_cast %scan3A_24 : i32 to index
      %swap3A_81 = arith.constant 80 : index
      %swap3A_82 = tpu.vector_load %arg7[%swap3A_80, %swap3A_81] {strides = array<i32>} : memref<32x256xf32, #tpu.memory_space<vmem>>, vector<16xf32>,
      tpu.vector_store %arg7[%swap3A_80, %swap3A_81], %add3A_79 {strides = array<i32>} : memref<32x256xf32, #tpu.memory_space<vmem>>, vector<16xf32>,
      %get3A_83 = arith.index_cast %scan3A_24 : i32 to index
      %get3A_84 = arith.constant 96 : index
      %get3A_85 = tpu.vector_load %arg7[%get3A_83, %get3A_84] {strides = array<i32>} : memref<32x256xf32, #tpu.memory_space<vmem>>, vector<16xf32>,
      %get3A_86 = arith.index_cast %scan3A_24 : i32 to index
      %get3A_87 = arith.constant 96 : index
      %get3A_88 = tpu.vector_load %arg8[%get3A_86, %get3A_87] {strides = array<i32>} : memref<32x256xf32, #tpu.memory_space<vmem>>, vector<16xf32>,
      %add3A_89 = arith.addf %get3A_85, %get3A_88 : vector<16xf32>
      %swap3A_90 = arith.index_cast %scan3A_24 : i32 to index
      %swap3A_91 = arith.constant 96 : index
      %swap3A_92 = tpu.vector_load %arg7[%swap3A_90, %swap3A_91] {strides = array<i32>} : memref<32x256xf32, #tpu.memory_space<vmem>>, vector<16xf32>,
      tpu.vector_store %arg7[%swap3A_90, %swap3A_91], %add3A_89 {strides = array<i32>} : memref<32x256xf32, #tpu.memory_space<vmem>>, vector<16xf32>,
      %get3A_93 = arith.index_cast %scan3A_24 : i32 to index
      %get3A_94 = arith.constant 112 : index
      %get3A_95 = tpu.vector_load %arg7[%get3A_93, %get3A_94] {strides = array<i32>} : memref<32x256xf32, #tpu.memory_space<vmem>>, vector<16xf32>,
      %get3A_96 = arith.index_cast %scan3A_24 : i32 to index
      %get3A_97 = arith.constant 112 : index
      %get3A_98 = tpu.vector_load %arg8[%get3A_96, %get3A_97] {strides = array<i32>} : memref<32x256xf32, #tpu.memory_space<vmem>>, vector<16xf32>,
      %add3A_99 = arith.addf %get3A_95, %get3A_98 : vector<16xf32>
      %swap3A_100 = arith.index_cast %scan3A_24 : i32 to index
      %swap3A_101 = arith.constant 112 : index
      %swap3A_102 = tpu.vector_load %arg7[%swap3A_100, %swap3A_101] {strides = array<i32>} : memref<32x256xf32, #tpu.memory_space<vmem>>, vector<16xf32>,
      tpu.vector_store %arg7[%swap3A_100, %swap3A_101], %add3A_99 {strides = array<i32>} : memref<32x256xf32, #tpu.memory_space<vmem>>, vector<16xf32>,
      %get3A_103 = arith.index_cast %scan3A_24 : i32 to index
      %get3A_104 = arith.constant 128 : index
      %get3A_105 = tpu.vector_load %arg7[%get3A_103, %get3A_104] {strides = array<i32>} : memref<32x256xf32, #tpu.memory_space<vmem>>, vector<16xf32>,
      %get3A_106 = arith.index_cast %scan3A_24 : i32 to index
      %get3A_107 = arith.constant 128 : index
      %get3A_108 = tpu.vector_load %arg8[%get3A_106, %get3A_107] {strides = array<i32>} : memref<32x256xf32, #tpu.memory_space<vmem>>, vector<16xf32>,
      %add3A_109 = arith.addf %get3A_105, %get3A_108 : vector<16xf32>
      %swap3A_110 = arith.index_cast %scan3A_24 : i32 to index
      %swap3A_111 = arith.constant 128 : index
      %swap3A_112 = tpu.vector_load %arg7[%swap3A_110, %swap3A_111] {strides = array<i32>} : memref<32x256xf32, #tpu.memory_space<vmem>>, vector<16xf32>,
      tpu.vector_store %arg7[%swap3A_110, %swap3A_111], %add3A_109 {strides = array<i32>} : memref<32x256xf32, #tpu.memory_space<vmem>>, vector<16xf32>,
      %get3A_113 = arith.index_cast %scan3A_24 : i32 to index
      %get3A_114 = arith.constant 144 : index
      %get3A_115 = tpu.vector_load %arg7[%get3A_113, %get3A_114] {strides = array<i32>} : memref<32x256xf32, #tpu.memory_space<vmem>>, vector<16xf32>,
      %get3A_116 = arith.index_cast %scan3A_24 : i32 to index
      %get3A_117 = arith.constant 144 : index
      %get3A_118 = tpu.vector_load %arg8[%get3A_116, %get3A_117] {strides = array<i32>} : memref<32x256xf32, #tpu.memory_space<vmem>>, vector<16xf32>,
      %add3A_119 = arith.addf %get3A_115, %get3A_118 : vector<16xf32>
      %swap3A_120 = arith.index_cast %scan3A_24 : i32 to index
      %swap3A_121 = arith.constant 144 : index
      %swap3A_122 = tpu.vector_load %arg7[%swap3A_120, %swap3A_121] {strides = array<i32>} : memref<32x256xf32, #tpu.memory_space<vmem>>, vector<16xf32>,
      tpu.vector_store %arg7[%swap3A_120, %swap3A_121], %add3A_119 {strides = array<i32>} : memref<32x256xf32, #tpu.memory_space<vmem>>, vector<16xf32>,
      %get3A_123 = arith.index_cast %scan3A_24 : i32 to index
      %get3A_124 = arith.constant 160 : index
      %get3A_125 = tpu.vector_load %arg7[%get3A_123, %get3A_124] {strides = array<i32>} : memref<32x256xf32, #tpu.memory_space<vmem>>, vector<16xf32>,
      %get3A_126 = arith.index_cast %scan3A_24 : i32 to index
      %get3A_127 = arith.constant 160 : index
      %get3A_128 = tpu.vector_load %arg8[%get3A_126, %get3A_127] {strides = array<i32>} : memref<32x256xf32, #tpu.memory_space<vmem>>, vector<16xf32>,
      %add3A_129 = arith.addf %get3A_125, %get3A_128 : vector<16xf32>
      %swap3A_130 = arith.index_cast %scan3A_24 : i32 to index
      %swap3A_131 = arith.constant 160 : index
      %swap3A_132 = tpu.vector_load %arg7[%swap3A_130, %swap3A_131] {strides = array<i32>} : memref<32x256xf32, #tpu.memory_space<vmem>>, vector<16xf32>,
      tpu.vector_store %arg7[%swap3A_130, %swap3A_131], %add3A_129 {strides = array<i32>} : memref<32x256xf32, #tpu.memory_space<vmem>>, vector<16xf32>,
      %get3A_133 = arith.index_cast %scan3A_24 : i32 to index
      %get3A_134 = arith.constant 176 : index
      %get3A_135 = tpu.vector_load %arg7[%get3A_133, %get3A_134] {strides = array<i32>} : memref<32x256xf32, #tpu.memory_space<vmem>>, vector<16xf32>,
      %get3A_136 = arith.index_cast %scan3A_24 : i32 to index
      %get3A_137 = arith.constant 176 : index
      %get3A_138 = tpu.vector_load %arg8[%get3A_136, %get3A_137] {strides = array<i32>} : memref<32x256xf32, #tpu.memory_space<vmem>>, vector<16xf32>,
      %add3A_139 = arith.addf %get3A_135, %get3A_138 : vector<16xf32>
      %swap3A_140 = arith.index_cast %scan3A_24 : i32 to index
      %swap3A_141 = arith.constant 176 : index
      %swap3A_142 = tpu.vector_load %arg7[%swap3A_140, %swap3A_141] {strides = array<i32>} : memref<32x256xf32, #tpu.memory_space<vmem>>, vector<16xf32>,
      tpu.vector_store %arg7[%swap3A_140, %swap3A_141], %add3A_139 {strides = array<i32>} : memref<32x256xf32, #tpu.memory_space<vmem>>, vector<16xf32>,
      %get3A_143 = arith.index_cast %scan3A_24 : i32 to index
      %get3A_144 = arith.constant 192 : index
      %get3A_145 = tpu.vector_load %arg7[%get3A_143, %get3A_144] {strides = array<i32>} : memref<32x256xf32, #tpu.memory_space<vmem>>, vector<16xf32>,
      %get3A_146 = arith.index_cast %scan3A_24 : i32 to index
      %get3A_147 = arith.constant 192 : index
      %get3A_148 = tpu.vector_load %arg8[%get3A_146, %get3A_147] {strides = array<i32>} : memref<32x256xf32, #tpu.memory_space<vmem>>, vector<16xf32>,
      %add3A_149 = arith.addf %get3A_145, %get3A_148 : vector<16xf32>
      %swap3A_150 = arith.index_cast %scan3A_24 : i32 to index
      %swap3A_151 = arith.constant 192 : index
      %swap3A_152 = tpu.vector_load %arg7[%swap3A_150, %swap3A_151] {strides = array<i32>} : memref<32x256xf32, #tpu.memory_space<vmem>>, vector<16xf32>,
      tpu.vector_store %arg7[%swap3A_150, %swap3A_151], %add3A_149 {strides = array<i32>} : memref<32x256xf32, #tpu.memory_space<vmem>>, vector<16xf32>,
      %get3A_153 = arith.index_cast %scan3A_24 : i32 to index
      %get3A_154 = arith.constant 208 : index
      %get3A_155 = tpu.vector_load %arg7[%get3A_153, %get3A_154] {strides = array<i32>} : memref<32x256xf32, #tpu.memory_space<vmem>>, vector<16xf32>,
      %get3A_156 = arith.index_cast %scan3A_24 : i32 to index
      %get3A_157 = arith.constant 208 : index
      %get3A_158 = tpu.vector_load %arg8[%get3A_156, %get3A_157] {strides = array<i32>} : memref<32x256xf32, #tpu.memory_space<vmem>>, vector<16xf32>,
      %add3A_159 = arith.addf %get3A_155, %get3A_158 : vector<16xf32>
      %swap3A_160 = arith.index_cast %scan3A_24 : i32 to index
      %swap3A_161 = arith.constant 208 : index
      %swap3A_162 = tpu.vector_load %arg7[%swap3A_160, %swap3A_161] {strides = array<i32>} : memref<32x256xf32, #tpu.memory_space<vmem>>, vector<16xf32>,
      tpu.vector_store %arg7[%swap3A_160, %swap3A_161], %add3A_159 {strides = array<i32>} : memref<32x256xf32, #tpu.memory_space<vmem>>, vector<16xf32>,
      %get3A_163 = arith.index_cast %scan3A_24 : i32 to index
      %get3A_164 = arith.constant 224 : index
      %get3A_165 = tpu.vector_load %arg7[%get3A_163, %get3A_164] {strides = array<i32>} : memref<32x256xf32, #tpu.memory_space<vmem>>, vector<16xf32>,
      %get3A_166 = arith.index_cast %scan3A_24 : i32 to index
      %get3A_167 = arith.constant 224 : index
      %get3A_168 = tpu.vector_load %arg8[%get3A_166, %get3A_167] {strides = array<i32>} : memref<32x256xf32, #tpu.memory_space<vmem>>, vector<16xf32>,
      %add3A_169 = arith.addf %get3A_165, %get3A_168 : vector<16xf32>
      %swap3A_170 = arith.index_cast %scan3A_24 : i32 to index
      %swap3A_171 = arith.constant 224 : index
      %swap3A_172 = tpu.vector_load %arg7[%swap3A_170, %swap3A_171] {strides = array<i32>} : memref<32x256xf32, #tpu.memory_space<vmem>>, vector<16xf32>,
      tpu.vector_store %arg7[%swap3A_170, %swap3A_171], %add3A_169 {strides = array<i32>} : memref<32x256xf32, #tpu.memory_space<vmem>>, vector<16xf32>,
      %get3A_173 = arith.index_cast %scan3A_24 : i32 to index
      %get3A_174 = arith.constant 240 : index
      %get3A_175 = tpu.vector_load %arg7[%get3A_173, %get3A_174] {strides = array<i32>} : memref<32x256xf32, #tpu.memory_space<vmem>>, vector<16xf32>,
      %get3A_176 = arith.index_cast %scan3A_24 : i32 to index
      %get3A_177 = arith.constant 240 : index
      %get3A_178 = tpu.vector_load %arg8[%get3A_176, %get3A_177] {strides = array<i32>} : memref<32x256xf32, #tpu.memory_space<vmem>>, vector<16xf32>,
      %add3A_179 = arith.addf %get3A_175, %get3A_178 : vector<16xf32>
      %swap3A_180 = arith.index_cast %scan3A_24 : i32 to index
      %swap3A_181 = arith.constant 240 : index
      %swap3A_182 = tpu.vector_load %arg7[%swap3A_180, %swap3A_181] {strides = array<i32>} : memref<32x256xf32, #tpu.memory_space<vmem>>, vector<16xf32>,
      tpu.vector_store %arg7[%swap3A_180, %swap3A_181], %add3A_179 {strides = array<i32>} : memref<32x256xf32, #tpu.memory_space<vmem>>, vector<16xf32>,
    }
    %scan3A_23 = arith.constant 32 : i32
    "tpu.region"() ({
      %run_scoped3A = tpu.sem_alloc : memref<!tpu.dma_semaphore, #tpu.memory_space<semaphore_mem>>
      %dma_start3A_24 = arith.constant 0 : i32
      %dma_start3A_25 = tpu.memref_slice %arg5[%mul3A_2, %dma_start3A_24] : memref<1024x256xf32, #tpu.memory_space<hbm>> -> memref<32x256xf32, #tpu.memory_space<hbm>>
      %dma_start3A_26 = arith.constant 0 : i32
      %dma_start3A_27 = tpu.memref_slice %arg5[%mul3A_2, %dma_start3A_26] : memref<1024x256xf32, #tpu.memory_space<hbm>> -> memref<32x256xf32, #tpu.memory_space<hbm>>
      tpu.enqueue_dma source(%arg7 : memref<32x256xf32, #tpu.memory_space<vmem>>) target(%dma_start3A_27 : memref<32x256xf32, #tpu.memory_space<hbm>>) target_semaphore(%run_scoped3A : memref<!tpu.dma_semaphore, #tpu.memory_space<semaphore_mem>>)
      %dma_wait3A_28 = arith.constant 0 : i32
      %dma_wait3A_29 = tpu.memref_slice %arg5[%mul3A_2, %dma_wait3A_28] : memref<1024x256xf32, #tpu.memory_space<hbm>> -> memref<32x256xf32, #tpu.memory_space<hbm>>
      %dma_wait3A_30 = arith.constant 0 : i32
      %dma_wait3A_31 = tpu.memref_slice %arg5[%mul3A_2, %dma_wait3A_30] : memref<1024x256xf32, #tpu.memory_space<hbm>> -> memref<32x256xf32, #tpu.memory_space<hbm>>
      tpu.wait_dma2 semaphore(%run_scoped3A : memref<!tpu.dma_semaphore, #tpu.memory_space<semaphore_mem>>) src(%arg7 : memref<32x256xf32, #tpu.memory_space<vmem>>) dst(%dma_wait3A_31 : memref<32x256xf32, #tpu.memory_space<hbm>>)
      tpu.yield
    }) : () -> ()
    return
  }
}

#map = affine_map<(d0, d1) -> (0, 0)>
#map1 = affine_map<(d0, d1) -> (0)>
module attributes {stable_mosaic.version = 14 : i64} {
  func.func @_sc_comp(%arg0: i32, %arg1: i32, %arg2: memref<4096x256xf32, #tpu.memory_space<hbm>>, %arg3: memref<4096xi32, #tpu.memory_space<hbm>>, %arg4: memref<3072x256xf32, #tpu.memory_space<hbm>>, %arg5: memref<4096xi32, #tpu.memory_space<vmem>>, %arg6: memref<96xi32, #tpu.memory_space<vmem>>, %arg7: memref<96x256xf32, #tpu.memory_space<vmem>>, %arg8: memref<!tpu.dma_semaphore, #tpu.memory_space<semaphore_mem>>) attributes {dimension_semantics = [#tpu.dimension_semantics<core_parallel>, #tpu.dimension_semantics<subcore_parallel>], iteration_bounds = array<i64: 2, 16>, scalar_prefetch = 0 : i64, scratch_operands = 4 : i64, tpu.core_type = #tpu.core_type<sc_vector_subcore>, window_params = [{transform_indices = #map}, {transform_indices = #map1}, {transform_indices = #map}]} {
    %mul3A = arith.constant 2 : i32
    %mul3A_0 = arith.muli %arg1, %mul3A : i32
    %add3A = arith.addi %mul3A_0, %arg0 : i32
    %mul3A_1 = arith.constant 96 : i32
    %mul3A_2 = arith.muli %add3A, %mul3A_1 : i32
    "tpu.region"() ({
      %run_scoped3A = tpu.sem_alloc : memref<!tpu.dma_semaphore, #tpu.memory_space<semaphore_mem>>
      %dma_start3A_12 = arith.constant 0 : i32
      %dma_start3A_13 = tpu.memref_slice %arg3[%dma_start3A_12] : memref<4096xi32, #tpu.memory_space<hbm>> -> memref<4096xi32, #tpu.memory_space<hbm>>
      %dma_start3A_14 = arith.constant 0 : i32
      %dma_start3A_15 = tpu.memref_slice %arg3[%dma_start3A_14] : memref<4096xi32, #tpu.memory_space<hbm>> -> memref<4096xi32, #tpu.memory_space<hbm>>
      tpu.enqueue_dma source(%dma_start3A_15 : memref<4096xi32, #tpu.memory_space<hbm>>) target(%arg5 : memref<4096xi32, #tpu.memory_space<vmem>>) target_semaphore(%run_scoped3A : memref<!tpu.dma_semaphore, #tpu.memory_space<semaphore_mem>>)
      %dma_wait3A_16 = arith.constant 0 : i32
      %dma_wait3A_17 = tpu.memref_slice %arg3[%dma_wait3A_16] : memref<4096xi32, #tpu.memory_space<hbm>> -> memref<4096xi32, #tpu.memory_space<hbm>>
      %dma_wait3A_18 = arith.constant 0 : i32
      %dma_wait3A_19 = tpu.memref_slice %arg3[%dma_wait3A_18] : memref<4096xi32, #tpu.memory_space<hbm>> -> memref<4096xi32, #tpu.memory_space<hbm>>
      tpu.wait_dma2 semaphore(%run_scoped3A : memref<!tpu.dma_semaphore, #tpu.memory_space<semaphore_mem>>) src(%dma_wait3A_19 : memref<4096xi32, #tpu.memory_space<hbm>>) dst(%arg5 : memref<4096xi32, #tpu.memory_space<vmem>>)
      tpu.yield
    }) : () -> ()
    %scan3A = arith.constant 0 : i32
    %scan3A_3 = arith.constant 0 : i32
    %scan3A_4 = arith.constant 256 : i32
    %scan3A_5 = arith.addi %scan3A_3, %scan3A_4 : i32
    %scan3A_6 = arith.constant 1 : i32
    scf.for %scan3A_12 = %scan3A_3 to %scan3A_5 step %scan3A_6  : i32 {
      %mul3A_13 = arith.constant 16 : i32
      %mul3A_14 = arith.muli %scan3A_12, %mul3A_13 : i32
      %get3A = arith.index_cast %mul3A_14 : i32 to index
      %get3A_15 = tpu.vector_load %arg5[%get3A] {strides = array<i32>} : memref<4096xi32, #tpu.memory_space<vmem>>, vector<16xi32>,
      %sub3A = vector.broadcast %mul3A_2 : i32 to vector<16xi32>
      %sub3A_16 = arith.subi %get3A_15, %sub3A : vector<16xi32>
      %iota3A = tpu.iota {dimensions = array<i32: 0>} : vector<16xi32>
      %mul3A_17 = arith.constant 16 : i32
      %mul3A_18 = arith.muli %scan3A_12, %mul3A_17 : i32
      %add3A_19 = vector.broadcast %mul3A_18 : i32 to vector<16xi32>
      %add3A_20 = arith.addi %iota3A, %add3A_19 : vector<16xi32>
      %ge3A = arith.constant 0 : i32
      %ge3A_21 = vector.broadcast %ge3A : i32 to vector<16xi32>
      %ge3A_22 = arith.cmpi sge, %sub3A_16, %ge3A_21 : vector<16xi32>
      %lt3A = arith.constant 96 : i32
      %lt3A_23 = vector.broadcast %lt3A : i32 to vector<16xi32>
      %lt3A_24 = arith.cmpi slt, %sub3A_16, %lt3A_23 : vector<16xi32>
      %and3A = arith.andi %ge3A_22, %lt3A_24 : vector<16xi1>
      %jit3A = arith.constant 0 : i32
      %broadcast_in_dim3A = vector.broadcast %jit3A : i32 to vector<16xi32>
      %select_n3A = arith.select %and3A, %sub3A_16, %broadcast_in_dim3A : vector<16xi1>, vector<16xi32>
      tpu.vector_store_idx %arg6[%select_n3A], %add3A_20 masked %and3A : memref<96xi32, #tpu.memory_space<vmem>>[vector<16xi32>], vector<16xi32>, vector<16xi1>
    }
    %scan3A_7 = arith.constant 256 : i32
    %dma_start3A = arith.constant 0 : i32
    %dma_start3A_8 = arith.constant 0 : i32
    %dma_start3A_9 = tpu.memref_slice %arg2[%dma_start3A, %dma_start3A_8] : memref<4096x256xf32, #tpu.memory_space<hbm>> -> memref<4096x256xf32, #tpu.memory_space<hbm>>
    tpu.enqueue_indirect_dma source(%dma_start3A_9 : memref<4096x256xf32, #tpu.memory_space<hbm>>) target(%arg7 : memref<96x256xf32, #tpu.memory_space<vmem>>) offsets(%arg6 : memref<96xi32, #tpu.memory_space<vmem>>) semaphore(%arg8 : memref<!tpu.dma_semaphore, #tpu.memory_space<semaphore_mem>>)
    %dma_wait3A = arith.constant 0 : i32
    %dma_wait3A_10 = arith.constant 0 : i32
    %dma_wait3A_11 = tpu.memref_slice %arg2[%dma_wait3A, %dma_wait3A_10] : memref<4096x256xf32, #tpu.memory_space<hbm>> -> memref<4096x256xf32, #tpu.memory_space<hbm>>
    tpu.wait_indirect_dma semaphore(%arg8 : memref<!tpu.dma_semaphore, #tpu.memory_space<semaphore_mem>>) src(%dma_wait3A_11 : memref<4096x256xf32, #tpu.memory_space<hbm>>) dst(%arg7 : memref<96x256xf32, #tpu.memory_space<vmem>>)
    "tpu.region"() ({
      %run_scoped3A = tpu.sem_alloc : memref<!tpu.dma_semaphore, #tpu.memory_space<semaphore_mem>>
      %dma_start3A_12 = arith.constant 0 : i32
      %dma_start3A_13 = tpu.memref_slice %arg4[%mul3A_2, %dma_start3A_12] : memref<3072x256xf32, #tpu.memory_space<hbm>> -> memref<96x256xf32, #tpu.memory_space<hbm>>
      %dma_start3A_14 = arith.constant 0 : i32
      %dma_start3A_15 = tpu.memref_slice %arg4[%mul3A_2, %dma_start3A_14] : memref<3072x256xf32, #tpu.memory_space<hbm>> -> memref<96x256xf32, #tpu.memory_space<hbm>>
      tpu.enqueue_dma source(%arg7 : memref<96x256xf32, #tpu.memory_space<vmem>>) target(%dma_start3A_15 : memref<96x256xf32, #tpu.memory_space<hbm>>) target_semaphore(%run_scoped3A : memref<!tpu.dma_semaphore, #tpu.memory_space<semaphore_mem>>)
      %dma_wait3A_16 = arith.constant 0 : i32
      %dma_wait3A_17 = tpu.memref_slice %arg4[%mul3A_2, %dma_wait3A_16] : memref<3072x256xf32, #tpu.memory_space<hbm>> -> memref<96x256xf32, #tpu.memory_space<hbm>>
      %dma_wait3A_18 = arith.constant 0 : i32
      %dma_wait3A_19 = tpu.memref_slice %arg4[%mul3A_2, %dma_wait3A_18] : memref<3072x256xf32, #tpu.memory_space<hbm>> -> memref<96x256xf32, #tpu.memory_space<hbm>>
      tpu.wait_dma2 semaphore(%run_scoped3A : memref<!tpu.dma_semaphore, #tpu.memory_space<semaphore_mem>>) src(%arg7 : memref<96x256xf32, #tpu.memory_space<vmem>>) dst(%dma_wait3A_19 : memref<96x256xf32, #tpu.memory_space<hbm>>)
      tpu.yield
    }) : () -> ()
    return
  }
}

module attributes {stable_mosaic.version = 14 : i64} {
  func.func @_stage_cost(%arg0: i32, %arg1: memref<1024x3xf32, #tpu.memory_space<vmem>>, %arg2: memref<3x512xf32, #tpu.memory_space<vmem>>, %arg3: memref<3x512xf32, #tpu.memory_space<vmem>>, %arg4: memref<1x512xf32, #tpu.memory_space<vmem>>, %arg5: memref<1024x256xf32, #tpu.memory_space<vmem>>, %arg6: memref<256x256xf32, #tpu.memory_space<vmem>>, %arg7: memref<1x256xf32, #tpu.memory_space<vmem>>, %arg8: memref<1024x1xf32, #tpu.memory_space<vmem>>, %arg9: memref<1024x1xi32, #tpu.memory_space<vmem>>, %arg10: memref<1024x256xf32, #tpu.memory_space<vmem>>) attributes {dimension_semantics = [#tpu.dimension_semantics<arbitrary>], iteration_bounds = array<i64: 8>, scalar_prefetch = 0 : i64, scratch_operands = 0 : i64, tpu.core_type = #tpu.core_type<tc>, window_params = [{pipeline_mode = #tpu.pipeline_mode<synchronous>, transform_indices = @transform_0, window_bounds = array<i64: 1024, 3>}, {transform_indices = @transform_1, window_bounds = array<i64: 3, 512>}, {transform_indices = @transform_2, window_bounds = array<i64: 3, 512>}, {transform_indices = @transform_3, window_bounds = array<i64: 1, 512>}, {pipeline_mode = #tpu.pipeline_mode<synchronous>, transform_indices = @transform_4, window_bounds = array<i64: 1024, 256>}, {pipeline_mode = #tpu.pipeline_mode<synchronous>, transform_indices = @transform_5, window_bounds = array<i64: 256, 256>}, {pipeline_mode = #tpu.pipeline_mode<synchronous>, transform_indices = @transform_6, window_bounds = array<i64: 1, 256>}, {pipeline_mode = #tpu.pipeline_mode<synchronous>, transform_indices = @transform_7, window_bounds = array<i64: 1024, 1>}, {pipeline_mode = #tpu.pipeline_mode<synchronous>, transform_indices = @transform_8, window_bounds = array<i64: 1024, 1>}, {pipeline_mode = #tpu.pipeline_mode<synchronous>, transform_indices = @transform_9, window_bounds = array<i64: 1024, 256>}]} {
    %get3A = arith.constant 0 : index
    %get3A_0 = arith.constant 0 : index
    %get3A_1 = vector.load %arg1[%get3A, %get3A_0] : memref<1024x3xf32, #tpu.memory_space<vmem>>, vector<1024x1xf32>
    %get3A_2 = arith.constant 0 : index
    %get3A_3 = arith.constant 1 : index
    %get3A_4 = vector.load %arg1[%get3A_2, %get3A_3] : memref<1024x3xf32, #tpu.memory_space<vmem>>, vector<1024x1xf32>
    %get3A_5 = arith.constant 0 : index
    %get3A_6 = arith.constant 2 : index
    %get3A_7 = vector.load %arg1[%get3A_5, %get3A_6] : memref<1024x3xf32, #tpu.memory_space<vmem>>, vector<1024x1xf32>
    %get3A_8 = arith.constant 0 : index
    %get3A_9 = arith.constant 0 : index
    %get3A_10 = vector.load %arg2[%get3A_8, %get3A_9] : memref<3x512xf32, #tpu.memory_space<vmem>>, vector<1x512xf32>
    %mul3A = arith.constant 1.024000e+02 : f32
    %mul3A_11 = vector.broadcast %mul3A : f32 to vector<1x512xf32>
    %mul3A_12 = arith.mulf %get3A_10, %mul3A_11 : vector<1x512xf32>
    %sub3A = arith.constant 5.120000e+01 : f32
    %sub3A_13 = vector.broadcast %sub3A : f32 to vector<1x512xf32>
    %sub3A_14 = arith.subf %mul3A_12, %sub3A_13 : vector<1x512xf32>
    %get3A_15 = arith.constant 1 : index
    %get3A_16 = arith.constant 0 : index
    %get3A_17 = vector.load %arg2[%get3A_15, %get3A_16] : memref<3x512xf32, #tpu.memory_space<vmem>>, vector<1x512xf32>
    %mul3A_18 = arith.constant 1.024000e+02 : f32
    %mul3A_19 = vector.broadcast %mul3A_18 : f32 to vector<1x512xf32>
    %mul3A_20 = arith.mulf %get3A_17, %mul3A_19 : vector<1x512xf32>
    %sub3A_21 = arith.constant 5.120000e+01 : f32
    %sub3A_22 = vector.broadcast %sub3A_21 : f32 to vector<1x512xf32>
    %sub3A_23 = arith.subf %mul3A_20, %sub3A_22 : vector<1x512xf32>
    %get3A_24 = arith.constant 2 : index
    %get3A_25 = arith.constant 0 : index
    %get3A_26 = vector.load %arg2[%get3A_24, %get3A_25] : memref<3x512xf32, #tpu.memory_space<vmem>>, vector<1x512xf32>
    %mul3A_27 = arith.constant 8.000000e+00 : f32
    %mul3A_28 = vector.broadcast %mul3A_27 : f32 to vector<1x512xf32>
    %mul3A_29 = arith.mulf %get3A_26, %mul3A_28 : vector<1x512xf32>
    %sub3A_30 = arith.constant 5.000000e+00 : f32
    %sub3A_31 = vector.broadcast %sub3A_30 : f32 to vector<1x512xf32>
    %sub3A_32 = arith.subf %mul3A_29, %sub3A_31 : vector<1x512xf32>
    %sub3A_33 = vector.broadcast %sub3A_14 : vector<1x512xf32> to vector<1024x512xf32>
    %sub3A_34 = vector.broadcast %get3A_1 : vector<1024x1xf32> to vector<1024x512xf32>
    %sub3A_35 = arith.subf %sub3A_33, %sub3A_34 : vector<1024x512xf32>
    %sub3A_36 = vector.broadcast %sub3A_23 : vector<1x512xf32> to vector<1024x512xf32>
    %sub3A_37 = vector.broadcast %get3A_4 : vector<1024x1xf32> to vector<1024x512xf32>
    %sub3A_38 = arith.subf %sub3A_36, %sub3A_37 : vector<1024x512xf32>
    %sub3A_39 = vector.broadcast %sub3A_32 : vector<1x512xf32> to vector<1024x512xf32>
    %sub3A_40 = vector.broadcast %get3A_7 : vector<1024x1xf32> to vector<1024x512xf32>
    %sub3A_41 = arith.subf %sub3A_39, %sub3A_40 : vector<1024x512xf32>
    %mul3A_42 = arith.mulf %sub3A_35, %sub3A_35 : vector<1024x512xf32>
    %mul3A_43 = arith.mulf %sub3A_38, %sub3A_38 : vector<1024x512xf32>
    %add3A = arith.addf %mul3A_42, %mul3A_43 : vector<1024x512xf32>
    %mul3A_44 = arith.mulf %sub3A_41, %sub3A_41 : vector<1024x512xf32>
    %add3A_45 = arith.addf %add3A, %mul3A_44 : vector<1024x512xf32>
    %add3A_46 = arith.constant 9.99999996E-13 : f32
    %add3A_47 = vector.broadcast %add3A_46 : f32 to vector<1024x512xf32>
    %add3A_48 = arith.addf %add3A_45, %add3A_47 : vector<1024x512xf32>
    %sqrt3A = math.sqrt %add3A_48 : vector<1024x512xf32>
    %get3A_49 = arith.constant 0 : index
    %get3A_50 = arith.constant 0 : index
    %get3A_51 = vector.load %arg3[%get3A_49, %get3A_50] : memref<3x512xf32, #tpu.memory_space<vmem>>, vector<1x512xf32>
    %exp3A = math.exp %get3A_51 : vector<1x512xf32>
    %get3A_52 = arith.constant 1 : index
    %get3A_53 = arith.constant 0 : index
    %get3A_54 = vector.load %arg3[%get3A_52, %get3A_53] : memref<3x512xf32, #tpu.memory_space<vmem>>, vector<1x512xf32>
    %exp3A_55 = math.exp %get3A_54 : vector<1x512xf32>
    %get3A_56 = arith.constant 2 : index
    %get3A_57 = arith.constant 0 : index
    %get3A_58 = vector.load %arg3[%get3A_56, %get3A_57] : memref<3x512xf32, #tpu.memory_space<vmem>>, vector<1x512xf32>
    %exp3A_59 = math.exp %get3A_58 : vector<1x512xf32>
    %abs3A = math.absf %sub3A_35 : vector<1024x512xf32>
    %div3A = vector.broadcast %exp3A : vector<1x512xf32> to vector<1024x512xf32>
    %div3A_60 = arith.divf %abs3A, %div3A : vector<1024x512xf32>
    %le3A = arith.constant 1.000000e+00 : f32
    %le3A_61 = vector.broadcast %le3A : f32 to vector<1024x512xf32>
    %le3A_62 = arith.cmpf ole, %div3A_60, %le3A_61 : vector<1024x512xf32>
    %abs3A_63 = math.absf %sub3A_38 : vector<1024x512xf32>
    %div3A_64 = vector.broadcast %exp3A_55 : vector<1x512xf32> to vector<1024x512xf32>
    %div3A_65 = arith.divf %abs3A_63, %div3A_64 : vector<1024x512xf32>
    %le3A_66 = arith.constant 1.000000e+00 : f32
    %le3A_67 = vector.broadcast %le3A_66 : f32 to vector<1024x512xf32>
    %le3A_68 = arith.cmpf ole, %div3A_65, %le3A_67 : vector<1024x512xf32>
    %and3A = arith.andi %le3A_62, %le3A_68 : vector<1024x512xi1>
    %abs3A_69 = math.absf %sub3A_41 : vector<1024x512xf32>
    %div3A_70 = vector.broadcast %exp3A_59 : vector<1x512xf32> to vector<1024x512xf32>
    %div3A_71 = arith.divf %abs3A_69, %div3A_70 : vector<1024x512xf32>
    %le3A_72 = arith.constant 1.000000e+00 : f32
    %le3A_73 = vector.broadcast %le3A_72 : f32 to vector<1024x512xf32>
    %le3A_74 = arith.cmpf ole, %div3A_71, %le3A_73 : vector<1024x512xf32>
    %and3A_75 = arith.andi %and3A, %le3A_74 : vector<1024x512xi1>
    %get3A_76 = arith.constant 0 : index
    %get3A_77 = arith.constant 0 : index
    %get3A_78 = vector.load %arg4[%get3A_76, %get3A_77] : memref<1x512xf32, #tpu.memory_space<vmem>>, vector<1x512xf32>
    %ge3A = arith.constant 5.000000e-02 : f32
    %ge3A_79 = vector.broadcast %ge3A : f32 to vector<1x512xf32>
    %ge3A_80 = arith.cmpf oge, %get3A_78, %ge3A_79 : vector<1x512xf32>
    %and3A_81 = vector.broadcast %ge3A_80 : vector<1x512xi1> to vector<1024x512xi1>
    %and3A_82 = arith.andi %and3A_81, %and3A_75 : vector<1024x512xi1>
    %jit3A = arith.constant 1.000000e+06 : f32
    %broadcast_in_dim3A = vector.broadcast %jit3A : f32 to vector<1024x512xf32>
    %select_n3A = arith.select %and3A_82, %sqrt3A, %broadcast_in_dim3A : vector<1024x512xi1>, vector<1024x512xf32>
    %reduce_min3A = arith.constant dense<0x7F800000> : vector<1024xf32>
    %reduce_min3A_83 = vector.multi_reduction <minimumf>, %select_n3A, %reduce_min3A [1] : vector<1024x512xf32> to vector<1024xf32>
    %broadcast_in_dim3A_84 = vector.shape_cast %reduce_min3A_83 : vector<1024xf32> to vector<1024x1xf32>
    %iota3A = tpu.iota {dimensions = array<i32: 1>} : vector<1024x512xi32>
    %eq3A = vector.broadcast %broadcast_in_dim3A_84 : vector<1024x1xf32> to vector<1024x512xf32>
    %eq3A_85 = arith.cmpf oeq, %select_n3A, %eq3A : vector<1024x512xf32>
    %jit3A_86 = arith.constant 4096 : i32
    %broadcast_in_dim3A_87 = vector.broadcast %jit3A_86 : i32 to vector<1024x512xi32>
    %select_n3A_88 = arith.select %eq3A_85, %iota3A, %broadcast_in_dim3A_87 : vector<1024x512xi1>, vector<1024x512xi32>
    %reduce_min3A_89 = arith.constant dense<2147483647> : vector<1024xi32>
    %reduce_min3A_90 = vector.multi_reduction <minsi>, %select_n3A_88, %reduce_min3A_89 [1] : vector<1024x512xi32> to vector<1024xi32>
    %broadcast_in_dim3A_91 = vector.shape_cast %reduce_min3A_90 : vector<1024xi32> to vector<1024x1xi32>
    %mul3A_92 = arith.constant 512 : i32
    %mul3A_93 = arith.muli %arg0, %mul3A_92 : i32
    %add3A_94 = vector.broadcast %mul3A_93 : i32 to vector<1024x1xi32>
    %add3A_95 = arith.addi %broadcast_in_dim3A_91, %add3A_94 : vector<1024x1xi32>
    %eq3A_96 = arith.constant 0 : i32
    %eq3A_97 = arith.cmpi eq, %arg0, %eq3A_96 : i32
    %convert_element_type3A = arith.extui %eq3A_97 : i1 to i32
    %cond3A = arith.constant 0 : i32
    %cond3A_98 = arith.cmpi ne, %convert_element_type3A, %cond3A : i32
    scf.if %cond3A_98 {
      %swap3A = arith.constant 0 : index
      %swap3A_108 = arith.constant 0 : index
      %swap3A_109 = vector.load %arg8[%swap3A, %swap3A_108] : memref<1024x1xf32, #tpu.memory_space<vmem>>, vector<1024x1xf32>
      tpu.vector_store %arg8[%swap3A, %swap3A_108], %broadcast_in_dim3A_84 {strides = array<i32>} : memref<1024x1xf32, #tpu.memory_space<vmem>>, vector<1024x1xf32>,
      %swap3A_110 = arith.constant 0 : index
      %swap3A_111 = arith.constant 0 : index
      %swap3A_112 = vector.load %arg9[%swap3A_110, %swap3A_111] : memref<1024x1xi32, #tpu.memory_space<vmem>>, vector<1024x1xi32>
      tpu.vector_store %arg9[%swap3A_110, %swap3A_111], %add3A_95 {strides = array<i32>} : memref<1024x1xi32, #tpu.memory_space<vmem>>, vector<1024x1xi32>,
    } else {
    }
    %gt3A = arith.constant 0 : i32
    %gt3A_99 = arith.cmpi sgt, %arg0, %gt3A : i32
    %convert_element_type3A_100 = arith.extui %gt3A_99 : i1 to i32
    %cond3A_101 = arith.constant 0 : i32
    %cond3A_102 = arith.cmpi ne, %convert_element_type3A_100, %cond3A_101 : i32
    scf.if %cond3A_102 {
      %get3A_108 = arith.constant 0 : index
      %get3A_109 = arith.constant 0 : index
      %get3A_110 = vector.load %arg8[%get3A_108, %get3A_109] : memref<1024x1xf32, #tpu.memory_space<vmem>>, vector<1024x1xf32>
      %lt3A = arith.cmpf olt, %broadcast_in_dim3A_84, %get3A_110 : vector<1024x1xf32>
      %get3A_111 = arith.constant 0 : index
      %get3A_112 = arith.constant 0 : index
      %get3A_113 = vector.load %arg9[%get3A_111, %get3A_112] : memref<1024x1xi32, #tpu.memory_space<vmem>>, vector<1024x1xi32>
      %select_n3A_114 = arith.select %lt3A, %add3A_95, %get3A_113 : vector<1024x1xi1>, vector<1024x1xi32>
      %swap3A = arith.constant 0 : index
      %swap3A_115 = arith.constant 0 : index
      %swap3A_116 = vector.load %arg9[%swap3A, %swap3A_115] : memref<1024x1xi32, #tpu.memory_space<vmem>>, vector<1024x1xi32>
      tpu.vector_store %arg9[%swap3A, %swap3A_115], %select_n3A_114 {strides = array<i32>} : memref<1024x1xi32, #tpu.memory_space<vmem>>, vector<1024x1xi32>,
      %select_n3A_117 = arith.select %lt3A, %broadcast_in_dim3A_84, %get3A_110 : vector<1024x1xi1>, vector<1024x1xf32>
      %swap3A_118 = arith.constant 0 : index
      %swap3A_119 = arith.constant 0 : index
      %swap3A_120 = vector.load %arg8[%swap3A_118, %swap3A_119] : memref<1024x1xf32, #tpu.memory_space<vmem>>, vector<1024x1xf32>
      tpu.vector_store %arg8[%swap3A_118, %swap3A_119], %select_n3A_117 {strides = array<i32>} : memref<1024x1xf32, #tpu.memory_space<vmem>>, vector<1024x1xf32>,
    } else {
    }
    %eq3A_103 = arith.constant 7 : i32
    %eq3A_104 = arith.cmpi eq, %arg0, %eq3A_103 : i32
    %convert_element_type3A_105 = arith.extui %eq3A_104 : i1 to i32
    %cond3A_106 = arith.constant 0 : i32
    %cond3A_107 = arith.cmpi ne, %convert_element_type3A_105, %cond3A_106 : i32
    scf.if %cond3A_107 {
      %get3A_108 = arith.constant 0 : index
      %get3A_109 = arith.constant 0 : index
      %get3A_110 = vector.load %arg5[%get3A_108, %get3A_109] : memref<1024x256xf32, #tpu.memory_space<vmem>>, vector<1024x256xf32>
      %get3A_111 = arith.constant 0 : index
      %get3A_112 = arith.constant 0 : index
      %get3A_113 = vector.load %arg6[%get3A_111, %get3A_112] : memref<256x256xf32, #tpu.memory_space<vmem>>, vector<256x256xf32>
      %dot_general3A = arith.constant dense<0.000000e+00> : vector<1024x256xf32>
      %dot_general3A_114 = tpu.matmul %get3A_110, %get3A_113, %dot_general3A {dimension_numbers = #tpu.dot_dimension_numbers<[1], [0], [0], [1], [0, 0, 1, 1], [], []>, precision = #tpu.contract_precision<fp32>, transpose_lhs_hint = false} : vector<1024x256xf32>, vector<256x256xf32>, vector<1024x256xf32> -> vector<1024x256xf32>
      %get3A_115 = arith.constant 0 : index
      %get3A_116 = arith.constant 0 : index
      %get3A_117 = vector.load %arg7[%get3A_115, %get3A_116] : memref<1x256xf32, #tpu.memory_space<vmem>>, vector<1x256xf32>
      %add3A_118 = vector.broadcast %get3A_117 : vector<1x256xf32> to vector<1024x256xf32>
      %add3A_119 = arith.addf %dot_general3A_114, %add3A_118 : vector<1024x256xf32>
      %get3A_120 = arith.constant 0 : index
      %get3A_121 = arith.constant 0 : index
      %get3A_122 = vector.load %arg8[%get3A_120, %get3A_121] : memref<1024x1xf32, #tpu.memory_space<vmem>>, vector<1024x1xf32>
      %lt3A = arith.constant 1.000000e+05 : f32
      %lt3A_123 = vector.broadcast %lt3A : f32 to vector<1024x1xf32>
      %lt3A_124 = arith.cmpf olt, %get3A_122, %lt3A_123 : vector<1024x1xf32>
      %jit3A_125 = arith.constant 0.000000e+00 : f32
      %broadcast_in_dim3A_126 = vector.shape_cast %lt3A_124 : vector<1024x1xi1> to vector<1024x1xi1>
      %broadcast_in_dim3A_127 = vector.broadcast %broadcast_in_dim3A_126 : vector<1024x1xi1> to vector<1024x256xi1>
      %broadcast_in_dim3A_128 = vector.broadcast %jit3A_125 : f32 to vector<1024x256xf32>
      %select_n3A_129 = arith.select %broadcast_in_dim3A_127, %add3A_119, %broadcast_in_dim3A_128 : vector<1024x256xi1>, vector<1024x256xf32>
      %swap3A = arith.constant 0 : index
      %swap3A_130 = arith.constant 0 : index
      %swap3A_131 = vector.load %arg10[%swap3A, %swap3A_130] : memref<1024x256xf32, #tpu.memory_space<vmem>>, vector<1024x256xf32>
      tpu.vector_store %arg10[%swap3A, %swap3A_130], %select_n3A_129 {strides = array<i32>} : memref<1024x256xf32, #tpu.memory_space<vmem>>, vector<1024x256xf32>,
    } else {
    }
    return
  }
  func.func @transform_0(%arg0: i32) -> (i32, i32) {
    %c0_i32 = arith.constant 0 : i32
    %c0_i32_0 = arith.constant 0 : i32
    %c0_i32_1 = arith.constant 0 : i32
    return %c0_i32, %c0_i32_0 : i32, i32
  }
  func.func @transform_1(%arg0: i32) -> (i32, i32) {
    %c0_i32 = arith.constant 0 : i32
    %c0_i32_0 = arith.constant 0 : i32
    return %c0_i32, %arg0 : i32, i32
  }
  func.func @transform_2(%arg0: i32) -> (i32, i32) {
    %c0_i32 = arith.constant 0 : i32
    %c0_i32_0 = arith.constant 0 : i32
    return %c0_i32, %arg0 : i32, i32
  }
  func.func @transform_3(%arg0: i32) -> (i32, i32) {
    %c0_i32 = arith.constant 0 : i32
    %c0_i32_0 = arith.constant 0 : i32
    return %c0_i32, %arg0 : i32, i32
  }
  func.func @transform_4(%arg0: i32) -> (i32, i32) {
    %c0_i32 = arith.constant 0 : i32
    %c0_i32_0 = arith.constant 0 : i32
    %c0_i32_1 = arith.constant 0 : i32
    return %c0_i32, %c0_i32_0 : i32, i32
  }
  func.func @transform_5(%arg0: i32) -> (i32, i32) {
    %c0_i32 = arith.constant 0 : i32
    %c0_i32_0 = arith.constant 0 : i32
    %c0_i32_1 = arith.constant 0 : i32
    return %c0_i32, %c0_i32_0 : i32, i32
  }
  func.func @transform_6(%arg0: i32) -> (i32, i32) {
    %c0_i32 = arith.constant 0 : i32
    %c0_i32_0 = arith.constant 0 : i32
    %c0_i32_1 = arith.constant 0 : i32
    return %c0_i32, %c0_i32_0 : i32, i32
  }
  func.func @transform_7(%arg0: i32) -> (i32, i32) {
    %c0_i32 = arith.constant 0 : i32
    %c0_i32_0 = arith.constant 0 : i32
    %c0_i32_1 = arith.constant 0 : i32
    return %c0_i32, %c0_i32_0 : i32, i32
  }
  func.func @transform_8(%arg0: i32) -> (i32, i32) {
    %c0_i32 = arith.constant 0 : i32
    %c0_i32_0 = arith.constant 0 : i32
    %c0_i32_1 = arith.constant 0 : i32
    return %c0_i32, %c0_i32_0 : i32, i32
  }
  func.func @transform_9(%arg0: i32) -> (i32, i32) {
    %c0_i32 = arith.constant 0 : i32
    %c0_i32_0 = arith.constant 0 : i32
    %c0_i32_1 = arith.constant 0 : i32
    return %c0_i32, %c0_i32_0 : i32, i32
  }
}

module attributes {stable_mosaic.version = 14 : i64} {
  func.func @_stage_ranks(%arg0: i32, %arg1: memref<512x1xf32, #tpu.memory_space<vmem>>, %arg2: memref<1x4096xf32, #tpu.memory_space<vmem>>, %arg3: memref<512x1xi32, #tpu.memory_space<vmem>>) attributes {dimension_semantics = [#tpu.dimension_semantics<arbitrary>], iteration_bounds = array<i64: 8>, scalar_prefetch = 0 : i64, scratch_operands = 0 : i64, tpu.core_type = #tpu.core_type<tc>, window_params = [{transform_indices = @transform_0, window_bounds = array<i64: 512, 1>}, {pipeline_mode = #tpu.pipeline_mode<synchronous>, transform_indices = @transform_1, window_bounds = array<i64: 1, 4096>}, {transform_indices = @transform_2, window_bounds = array<i64: 512, 1>}]} {
    %get3A = arith.constant 0 : index
    %get3A_0 = arith.constant 0 : index
    %get3A_1 = vector.load %arg1[%get3A, %get3A_0] : memref<512x1xf32, #tpu.memory_space<vmem>>, vector<512x1xf32>
    %get3A_2 = arith.constant 0 : index
    %get3A_3 = arith.constant 0 : index
    %get3A_4 = vector.load %arg2[%get3A_2, %get3A_3] : memref<1x4096xf32, #tpu.memory_space<vmem>>, vector<1x4096xf32>
    %iota3A = tpu.iota {dimensions = array<i32: 1>} : vector<512x4096xi32>
    %iota3A_5 = tpu.iota {dimensions = array<i32: 0>} : vector<512x4096xi32>
    %mul3A = arith.constant 512 : i32
    %mul3A_6 = arith.muli %arg0, %mul3A : i32
    %add3A = vector.broadcast %mul3A_6 : i32 to vector<512x4096xi32>
    %add3A_7 = arith.addi %iota3A_5, %add3A : vector<512x4096xi32>
    %gt3A = vector.broadcast %get3A_4 : vector<1x4096xf32> to vector<512x4096xf32>
    %gt3A_8 = vector.broadcast %get3A_1 : vector<512x1xf32> to vector<512x4096xf32>
    %gt3A_9 = arith.cmpf ogt, %gt3A, %gt3A_8 : vector<512x4096xf32>
    %eq3A = vector.broadcast %get3A_4 : vector<1x4096xf32> to vector<512x4096xf32>
    %eq3A_10 = vector.broadcast %get3A_1 : vector<512x1xf32> to vector<512x4096xf32>
    %eq3A_11 = arith.cmpf oeq, %eq3A, %eq3A_10 : vector<512x4096xf32>
    %lt3A = arith.cmpi slt, %iota3A, %add3A_7 : vector<512x4096xi32>
    %and3A = arith.andi %eq3A_11, %lt3A : vector<512x4096xi1>
    %or3A = arith.ori %gt3A_9, %and3A : vector<512x4096xi1>
    %convert_element_type3A = arith.extui %or3A : vector<512x4096xi1> to vector<512x4096xi32>
    %reduce_sum3A = arith.constant dense<0> : vector<512xi32>
    %reduce_sum3A_12 = vector.multi_reduction <add>, %convert_element_type3A, %reduce_sum3A [1] : vector<512x4096xi32> to vector<512xi32>
    %broadcast_in_dim3A = vector.shape_cast %reduce_sum3A_12 : vector<512xi32> to vector<512x1xi32>
    %swap3A = arith.constant 0 : index
    %swap3A_13 = arith.constant 0 : index
    %swap3A_14 = vector.load %arg3[%swap3A, %swap3A_13] : memref<512x1xi32, #tpu.memory_space<vmem>>, vector<512x1xi32>
    tpu.vector_store %arg3[%swap3A, %swap3A_13], %broadcast_in_dim3A {strides = array<i32>} : memref<512x1xi32, #tpu.memory_space<vmem>>, vector<512x1xi32>,
    return
  }
  func.func @transform_0(%arg0: i32) -> (i32, i32) {
    %c0_i32 = arith.constant 0 : i32
    %c0_i32_0 = arith.constant 0 : i32
    return %arg0, %c0_i32 : i32, i32
  }
  func.func @transform_1(%arg0: i32) -> (i32, i32) {
    %c0_i32 = arith.constant 0 : i32
    %c0_i32_0 = arith.constant 0 : i32
    %c0_i32_1 = arith.constant 0 : i32
    return %c0_i32, %c0_i32_0 : i32, i32
  }
  func.func @transform_2(%arg0: i32) -> (i32, i32) {
    %c0_i32 = arith.constant 0 : i32
    %c0_i32_0 = arith.constant 0 : i32
    return %arg0, %c0_i32 : i32, i32
  }
}

</mosaic_0001>

<sc_bundles>
// kernel: kernel.6.cloned.1.call-start
scs
__scs_entry_jumppad:
0x0: {  	(pc) =	sbr.rel $0x88, $3  }
0x1: {  	(tag) =	ssettag $0x0;
	lr =	simm.s32 $0x1  }
0x2: {  	[smem:$0x3F98] =	sst lr;
	_ =	strace $0xD0000000  }
0x3: {  	_ = 	snop  }
0x4: {  	_ = 	snop  }
0x5: {  	_ = 	snop  }
0x6: {  	_ = 	snop  }
0x7: {  	_ = 	snop  }
__scs_overlays_trampoline_lowered:
0x8: {  	[smem:$0x3FA7] =	sst s0  }
0x9: {  	[smem:$0x3FA8] =	sst s1  }
0xa: {  	[smem:$0x3FA9] =	sst s2  }
0xb: {  	[smem:$0x3FAA] =	sst s3  }
0xc: {  	[smem:$0x3FAB] =	sst s4  }
0xd: {  	[smem:$0x3FAC] =	sst s5  }
0xe: {  	[smem:$0x3FAD] =	sst s6  }
0xf: {  	[smem:$0x3FAE] =	sst s7  }
0x10: {  	[smem:$0x3FAF] =	sst s8  }
0x11: {  	[smem:$0x3FB0] =	sst s9;
	s0 =	simm.s32 @!p0 $0x0  }
0x12: {  	s1 =	sld [smem:$0x3F96];
	s0 =	simm.s32 @p0 $0x1  }
0x13: {  	[smem:$0x3FB1] =	sst s0;
	s0 =	simm.s32 @!p1 $0x0  }
0x14: {  	s2 =	sld [smem:$0x3F95];
	s0 =	simm.s32 @p1 $0x1  }
0x15: {  	[smem:$0x3FB2] =	sst s0;
	s0 =	simm.s32 @!p2 $0x0  }
0x16: {  	s3 =	sld [smem:$0x3FDB];
	s0 =	simm.s32 @p2 $0x1  }
0x17: {  	s4 =	simm.s32 $0x1BF5;
	[smem:$0x3FB4] =	sst s0  }
0x18: {  	s0 =	sld [smem:$0x3F97];
	_ =	swait.ge [sflag:s4], $0x0  }
0x19: {  	s7 =	sld [smem:$0x3F98]  }
0x1a: {  	s8 =	sadd.s32 $0xFFFFE003, lr  }
0x1b: {  	s9 =	sadd.s32 $0xFFFFFEF7, lr;
	s5 =	simm.s32 $0xFFFFFFFF;
	p2 =	slt.u32 s8, $0xFFFFF086  }
0x1c: {  	p1 =	slt.u32 s9, $0xF7A;
	s5 =	simm.s32 @!p2 $0x0  }
0x1d: {  	s5 =	simm.s32 @p1 $0x1;
	p0 =	seq.s32 s7, s2  }
0x1e: {  	s7 =	smul.u32 @!p0 $0xF7A, s2;
	p2 =	seq.s32 @!p0 s5, $0x0  }
0x1f: {  	s9 =	smul.u32 $0xF7A, s1;
	s8 =	simm.s32 @!p0 $0x1BF5;
	p2 =	por !p2, p0  }
0x20: {  	[sflag:s8] =	ssyncset.s32 @!p0 $0xFFFFF086;
	s6 =	sadd.s32 @!p0 s3, s7;
	s7 =	simm.s32 @!p0 $0x108  }
0x21: {  	s3 =	sadd.s32 s3, s9;
	s6 =	sadd.s32 @!p0 $0x88, s6;
	s7 =	simm.s32 @p2 $0x1082  }
0x22: {  	[simem:s7], [sflag:s8] =	dma.local @!p0 [hbm:s6], $0xF7A  }
0x23: {  	s9 =	sor.u32 $0xD0000000, s2;
	s6 =	simm.s32 $0x108;
	_ =	swait.ge @!p0 [sflag:s8], $0x0  }
0x24: {  	s3 =	sadd.s32 $0x88, s3;
	s6 =	simm.s32 @!p1 $0x1082;
	[sflag:s4] =	ssyncset.s32 $0xFFFFF086  }
0x25: {  	[simem:s6], [sflag:s4] =	dma.local [hbm:s3], $0xF7A  }
0x26: {  	[smem:$0x3F98] =	sst s1;
	(tag) =	ssettag s2;
	_ =	strace s9  }
0x27: {  	s1 =	sld [smem:$0x3FA8]  }
0x28: {  	s2 =	sld [smem:$0x3FA9]  }
0x29: {  	s4 =	sld [smem:$0x3FAB]  }
0x2a: {  	p0 =	seq.s32 s5, $0x0;
	s5 =	sld [smem:$0x3FAC]  }
0x2b: {  	s6 =	sld [smem:$0x3FAD]  }
0x2c: {  	s7 =	sld [smem:$0x3FAE]  }
0x2d: {  	s3 =	simm.s32 $0x108;
	s8 =	sld [smem:$0x3FAF]  }
0x2e: {  	s3 =	simm.s32 @!p0 $0x1082;
	s9 =	sld [smem:$0x3FB0]  }
0x2f: {  	lr =	sadd.s32 s0, s3;
	s0 =	sld [smem:$0x3FA7]  }
0x30: {  	s3 =	sld [smem:$0x3FAA]  }
0x31: {  	[smem:$0x3FB3] =	sst s10  }
0x32: {  	s10 =	sld [smem:$0x3FB1];
	_ =	sdelay $0x3  }
0x33: {  	p0 =	seq.s32 s10, $0x1;
	s10 =	sld [smem:$0x3FB3];
	_ =	sdelay $0x3  }
0x34: {  	[smem:$0x3FB3] =	sst s10  }
0x35: {  	s10 =	sld [smem:$0x3FB2];
	_ =	sdelay $0x3  }
0x36: {  	p1 =	seq.s32 s10, $0x1;
	s10 =	sld [smem:$0x3FB3];
	_ =	sdelay $0x3  }
0x37: {  	[smem:$0x3FB3] =	sst s10  }
0x38: {  	s10 =	sld [smem:$0x3FB4]  }
0x39: {  	_ = 	snop;
	(pc) =	sbr.ind lr, $3  }
0x3a: {  	_ = 	snop  }
0x3b: {  	_ = 	snop  }
0x3c: {  	p2 =	seq.s32 s10, $0x1;
	s10 =	sld [smem:$0x3FB3]  }
0x3d: {  	_ =	shalt  }
0x3e: {  	_ =	shalt  }
0x3f: {  	_ =	shalt  }
0x40: {  	_ =	shalt  }
0x41: {  	_ =	shalt  }
0x42: {  	_ =	shalt  }
0x43: {  	_ =	shalt  }
0x44: {  	_ =	shalt  }
0x45: {  	_ =	shalt  }
0x46: {  	_ =	shalt  }
0x47: {  	_ =	shalt  }
0x48: {  	_ =	shalt  }
0x49: {  	_ =	shalt  }
0x4a: {  	_ =	shalt  }
0x4b: {  	_ =	shalt  }
0x4c: {  	_ =	shalt  }
0x4d: {  	_ =	shalt  }
0x4e: {  	_ =	shalt  }
0x4f: {  	_ =	shalt  }
0x50: {  	_ =	shalt  }
0x51: {  	_ =	shalt  }
0x52: {  	_ =	shalt  }
0x53: {  	_ =	shalt  }
0x54: {  	_ =	shalt  }
0x55: {  	_ =	shalt  }
0x56: {  	_ =	shalt  }
0x57: {  	_ =	shalt  }
0x58: {  	_ =	shalt  }
0x59: {  	_ =	shalt  }
0x5a: {  	_ =	shalt  }
0x5b: {  	_ =	shalt  }
0x5c: {  	_ =	shalt  }
0x5d: {  	_ =	shalt  }
0x5e: {  	_ =	shalt  }
0x5f: {  	_ =	shalt  }
0x60: {  	_ =	shalt  }
0x61: {  	_ =	shalt  }
0x62: {  	_ =	shalt  }
0x63: {  	_ =	shalt  }
0x64: {  	_ =	shalt  }
0x65: {  	_ =	shalt  }
0x66: {  	_ =	shalt  }
0x67: {  	_ =	shalt  }
0x68: {  	_ =	shalt  }
0x69: {  	_ =	shalt  }
0x6a: {  	_ =	shalt  }
0x6b: {  	_ =	shalt  }
0x6c: {  	_ =	shalt  }
0x6d: {  	_ =	shalt  }
0x6e: {  	_ =	shalt  }
0x6f: {  	_ =	shalt  }
0x70: {  	_ =	shalt  }
0x71: {  	_ =	shalt  }
0x72: {  	_ =	shalt  }
0x73: {  	_ =	shalt  }
0x74: {  	_ =	shalt  }
0x75: {  	_ =	shalt  }
0x76: {  	_ =	shalt  }
0x77: {  	_ =	shalt  }
0x78: {  	_ =	shalt  }
0x79: {  	_ =	shalt  }
0x7a: {  	_ =	shalt  }
0x7b: {  	_ =	shalt  }
0x7c: {  	_ =	shalt  }
0x7d: {  	_ =	shalt  }
0x7e: {  	_ =	shalt  }
0x7f: {  	_ =	shalt  }
0x80: {  	_ =	shalt  }
0x81: {  	_ =	shalt  }
0x82: {  	_ =	shalt  }
0x83: {  	_ =	shalt  }
0x84: {  	_ =	shalt  }
0x85: {  	_ =	shalt  }
0x86: {  	_ =	shalt  }
0x87: {  	_ =	shalt  }
.Lfunc_end0:
.L_simem_size_0:
called_computation_lowered:
.L_overlay_start_0:
0x88: {  	s2 =	sld [smem:$0x3FD9]  }
0x89: {  	s3 =	sld [smem:$0x3FFE];
	_ =	sdelay $0x1  }
0x8a: {  	s1 =	srdreg.scid  }
0x8b: {  	s0 =	sand.u32 $0x1, s1  }
0x8c: {  	s17 =	sshll.u32 s0, $0xA;
	s2 =	sadd.s32 s3, s2  }
0x8d: {  	s2 =	sadd.s32 s2, s17  }
0x8e: {  	[smem:$0x3FBF] =	sst s2  }
0x8f: {  	_ = 	snop  }
0x90: {  	s18 =	sld [smem:$0x3FC6];
	(tm) =	ssettm $0x1  }
0x91: {  	s19 =	sld [smem:$0x3FFB];
	_ =	sdelay $0x3  }
0x92: {  	_ =	strace s19  }
0x93: {  	s2 =	sld [smem:$0x3FFC];
	_ =	sdelay $0x3  }
0x94: {  	_ =	strace s2  }
0x95: {  	s2 =	sld [smem:$0x3FFD];
	_ =	sdelay $0x3  }
0x96: {  	_ =	strace s2  }
0x97: {  	_ =	strace $0x8FFFFFFF  }
0x98: {  	s20 =	sld [smem:$0x3FDB];
	_ =	sdelay $0x1  }
0x99: {  	s4 =	simm.s32 $_scs_section_size  }
0x9a: {  	s5 =	simm.s32 $_size__tile_overlayer_lowered;
	s6 =	simm.s32 $_tile_overlayer_lowered  }
0x9b: {  	s7 =	simm.s32 $0x1BFF;
	s21 =	sshll.u32 s6, $0x1;
	s4 =	sadd.s32 s4, s20  }
0x9c: {  	s22 =	simm.s32 $0x0;
	s5 =	sshll.u32 s5, $0x1;
	s6 =	sadd.s32 s21, s4  }
0x9d: {  	[timem:s22], [sflag:s7] =	dma.local [hbm:s6], s5  }
0x9e: {  	_ =	swait.ge [sflag:s7], s5  }
0x9f: {  	s5 =	ssub.s32 $0x0, s5;
	[sflag:s7] =	ssyncset.done $0x0  }
0xa0: {  	[sflag:s7] =	ssyncadd.s32 s5;
	_ =	sdelay $0x1  }
0xa1: {  	s23 =	simm.s32 $0x1B8B  }
0xa2: {  	_ =	swait.ge [sflag:s23], $0x1  }
0xa3: {  	[sflag:s23] =	ssyncset.done $0x0  }
0xa4: {  	[sflag:s23] =	ssyncadd.s32 $0xFFFFFFFF  }
0xa5: {  	s5 =	sld [smem:$0x0]  }
0xa6: {  	s6 =	sand.u32 $0xFFFFFFFE, s1  }
0xa7: {  	p0 =	sne.s32 s1, s6  }
0xa8: {  	s6 =	sshll.u32 @p0 s6, $0xE  }
0xa9: {  	s6 =	sadd.s32 @p0 $0x11B8D, s6;
	s7 =	sshll.u32 @p0 s5, $0x11  }
0xaa: {  	s6 =	sor.u32 @p0 s7, s6  }
0xab: {  	[sflag:s6] =	ssyncadd.remote.s32 @p0 $0x1;
	_ =	sdelay $0x1  }
0xac: {  	s6 =	simm.s32 @p0 $0x1B8D  }
0xad: {  	_ =	swait.eq @p0 [sflag:s6], $0x1  }
0xae: {  	[sflag:s6] =	ssyncadd.s32 @p0 $0xFFFFFFFF  }
0xaf: {  	s7 =	sshll.u32 @!p0 s1, $0xE  }
0xb0: {  	s7 =	sor.u32 @!p0 $0x4000, s7;
	s6 =	simm.s32 @!p0 $0x1B8D  }
0xb1: {  	s5 =	sshll.u32 @!p0 s5, $0x11;
	s7 =	sadd.s32 @!p0 $0x11B8D, s7;
	_ =	swait.eq @!p0 [sflag:s6], $0x1  }
0xb2: {  	s5 =	sor.u32 @!p0 s5, s7;
	[sflag:s6] =	ssyncadd.s32 @!p0 $0xFFFFFFFF  }
0xb3: {  	s25 =	simm.s32 $0x1B8E;
	s24 =	sld [smem:$0x3FFE];
	[sflag:s5] =	ssyncadd.remote.s32 @!p0 $0x1  }
0xb4: {  	s26 =	simm.s32 $execute0_lowered;
	[smem:$0x3FD2] =	sst s25  }
0xb5: {  	s6 =	sshll.u32 s26, $0x1;
	_ =	strace $0x80000049;
	[dreg:$0x1] =	wrdreg $0xFFFFFFFF  }
0xb6: {  	s28 =	simm.s32 $_size_execute0_lowered;
	s4 =	sadd.s32 s4, s6;
	[dreg:$0x0] =	wrdreg $0x0  }
0xb7: {  	s6 =	sshll.u32 s28, $0x1;
	[dreg:$0x2] =	wrdreg s4  }
0xb8: {  	[dreg:$0x3] =	wrdreg s6  }
0xb9: {  	[dreg:$0x4] =	wrdreg $0xC0  }
0xba: {  	_ =	task [dreg:s22], $0x5FFFF  }
0xbb: {  	[dreg:$0x1] =	wrdreg $0xFFFFFFFF  }
0xbc: {  	[dreg:$0x0] =	wrdreg $0x60  }
0xbd: {  	[dreg:$0x2] =	wrdreg s18  }
0xbe: {  	[dreg:$0x3] =	wrdreg s24  }
0xbf: {  	[dreg:$0x4] =	wrdreg $0x9  }
0xc0: {  	_ =	task.clear_ibuf [dreg:s22], $0x5FFFF;
	_ =	strace $0x90000049  }
0xc1: {  	s29 =	simm.s32 $0x9;
	_ =	strace $0x8000004B  }
0xc2: {  	_ =	swait.ge [sflag:s29], $0x1  }
0xc3: {  	[sflag:s29] =	ssyncadd.s32 $0xFFFFFFFF  }
0xc4: {  	_ =	strace $0x9000004B  }
0xc5: {  	_ =	sfence  }
0xc6: {  	s30 =	sld [smem:$0x0];
	_ =	sdelay $0x2  }
0xc7: {  	s31 =	sshll.u32 s1, $0xD;
	s1 =	sshrl.u32 s1, $0x2  }
0xc8: {  	s4 =	sand.u32 $0x4000, s31;
	s1 =	sadd.s32 s1, s30  }
0xc9: {  	s0 =	sor.u32 s4, s0;
	s1 =	sshll.u32 s1, $0x11  }
0xca: {  	s0 =	sor.u32 s1, s0  }
0xcb: {  	s0 =	sadd.s32 $0x8F2B, s0  }
0xcc: {  	[sflag:s0] =	ssyncadd.remote.s32 $0x1  }
0xcd: {  	_ =	sfence.sel $0xFFFF  }
0xce: {  	[dreg:$0x0] =	wrdreg $0xFFFFFFFF;
	(pc) =	sbr.abs _section_cstart, $3  }
0xcf: {  	[dreg:$0x1] =	wrdreg $0xFFFFFFFF  }
0xd0: {  	_ =	task.clear_ibuf [dreg:s22], $0x2FFFF;
	_ =	strace $0x9FFFFFFF  }
0xd1: {  	(tm) =	ssettm $0x7FFFFFFF  }
tec
execute0_lowered:
.L_overlay_start_1:
0x0: {  	(tag) =	ssettag $0x1  }
0x1: {  	s2 =	rddreg [dreg:$0x0]  }
0x2: {  	s1 =	srdreg.scid;
	s0 =	stileid.u32  }
0x3: {  	s5 =	rddreg [dreg:$0x1];
	s3 =	simm.s32 $0x0;
	s10 =	simm.s32 $0x1880  }
0x4: {  	s11 =	simm.s32 $0x2080;
	s12 =	simm.s32 $0x2880;
	s13 =	simm.s32 $0x3080  }
0x5: {  	s14 =	simm.s32 $0x3880;
	s15 =	simm.s32 $0x4080;
	s16 =	simm.s32 $0x4880  }
0x6: {  	s18 =	simm.s32 $0x5880;
	s19 =	simm.s32 $0x6080;
	s20 =	simm.s32 $0x6880  }
0x7: {  	s21 =	simm.s32 $0x1;
	s4 =	sand.u32 $0x1, s1;
	s1 =	rddreg [dreg:$0x2]  }
0x8: {  	s22 =	simm.s32 $0x0;
	s6 =	sshll.u32 s0, $0x1;
	[smem:$0x7FF] =	sst s3  }
0x9: {  	s6 =	sor.u32 s4, s6;
	s8 =	ssub.s32 $0x2, s4;
	_ =	strace $0x8000004A  }
0xa: {  	s4 =	sadd.s32 $0x9600, s5;
	s7 =	smul.u32 $0xC00, s6;
	s9 =	sshrl.u32 s8, $0x1  }
0xb: {  	v0 =	vlaneseq.u32;
	s17 =	smul.u32 $0xFFFFFFA0, s6;
	s31 =	ssub.s32 s8, s9;
	s8 =	simm.s32 $0x1000  }
0xc: {  	vm0 =	vmmov $0xffff;
	v2 =	vand.u32 $0x7, v0;
	v3 =	vshrl.u32 v0, $0x3;
	s9 =	simm.s32 $0x1080;
	s5 =	sadd.s32 s7, s5;
	s6 =	smax.u32 s31, $0x1  }
0xd: {  	v4 =	vor.u32 $0x8, v0;
	v3 =	vmul.u32 $0x8, v3;
	s7 =	simm.s32 $0x2;
	v1 =	vmov s17;
	s17 =	simm.s32 $0x5080;
	s5 =	sadd.s32 $0x9800, s5  }
.LBB2_1:
0xe: {  	[tilespmem:s3], [sflag:$0x2] =	stream.linear.gather [hbm4b:s4+s3], $0x1000, $0x38;
	[tilespmem:$0x7080] =	vst v63  }
0xf: {  	_ =	swait.ge [sflag:s7], $0x1000  }
0x10: {  	[sflag:s7] =	ssyncset.done $0x0  }
0x11: {  	[sflag:s7] =	ssyncadd.s32 $0xFFFFF000  }
0x12: {  	s24 =	simm.s32 $0x10;
	s23 =	simm.s32 $0x0;
	s25 =	simm.s32 $0x0;
	v5 =	vld [tilespmem:s3+$0x0]  }
.LBB2_2:
0x13: {  	p0 =	sne.s32 s24, $0xFF0;
	_ =	sdelay $0x3  }
0x14: {  	v5 =	vadd.s32 v1, v5  }
0x15: {  	vm1 =	vlt.u32 v5, $0x60  }
0x16: {  	v5 =	vnsel vm1, $0x0, v5;
	_ =	sdelay $0x1  }
.Ltmp0:
0x17: {  	(pc) =	sbr.rel @p0 .LBB2_2-.Ltmp0, $4  }
0x18: {  	_ = 	snop  }
0x19: {  	v6 =	vor.u32 s23, v0;
	s23 =	smov.u32 s24  }
0x1a: {  	s25 =	sadd.s32 $0x10, s25;
	[tilespmem:v5+s8+$0x0] =	vst.idx.msk vm1, v6  }
0x1b: {  	s24 =	sadd.s32 $0x10, s24;
	v5 =	vld [tilespmem:s25+$0x0]  }
0x1c: {  	_ =	sdelay $0x3  }
0x1d: {  	v5 =	vadd.s32 v1, v5  }
0x1e: {  	vm1 =	vlt.u32 v5, $0x60  }
0x1f: {  	v5 =	vnsel vm1, $0x0, v5;
	_ =	sdelay $0x3  }
0x20: {  	v6 =	vor.u32 s23, v0  }
0x21: {  	[tilespmem:v5+s8+$0x0] =	vst.idx.msk vm1, v6  }
0x22: {  	v5 =	vld [tilespmem:$0x1000];
	_ =	sdelay $0x4  }
0x23: {  	v6 =	vshll.u32 v5, $0x1  }
0x24: {  	v5 =	vand.u32 $0x7, v5;
	v6 =	vand.u32 $0xFFFFFFF0, v6  }
0x25: {  	v5 =	vor.u32 v5, v6  }
0x26: {  	v6 =	vperm.xlane v5, v2;
	_ =	sdelay $0x1  }
0x27: {  	v5 =	vperm.xlane v5, v4;
	v6 =	vadd.s32 v3, v6;
	_ =	sdelay $0x1  }
0x28: {  	v5 =	vadd.s32 v3, v5;
	_ =	sdelay $0x2  }
0x29: {  	[tilespmem:s9], [sflag:$0x1] =	stream.indirect_vreg.gather [hbm4b:s2+s3], $0x80, v6, vm0, $0xb8;
	[tilespmem:$0x7080] =	vst v63  }
0x2a: {  	_ = 	snop  }
0x2b: {  	[tilespmem:s10], [sflag:$0x1] =	stream.indirect_vreg.gather [hbm4b:s2+s3], $0x80, v5, vm0, $0xb8;
	[tilespmem:$0x7080] =	vst v63  }
0x2c: {  	v5 =	vld [tilespmem:$0x1010];
	_ =	sdelay $0x4  }
0x2d: {  	v6 =	vshll.u32 v5, $0x1  }
0x2e: {  	v5 =	vand.u32 $0x7, v5;
	v6 =	vand.u32 $0xFFFFFFF0, v6  }
0x2f: {  	v5 =	vor.u32 v5, v6  }
0x30: {  	v6 =	vperm.xlane v5, v2;
	_ =	sdelay $0x1  }
0x31: {  	v5 =	vperm.xlane v5, v4;
	v6 =	vadd.s32 v3, v6;
	_ =	sdelay $0x1  }
0x32: {  	v5 =	vadd.s32 v3, v5;
	_ =	sdelay $0x2  }
0x33: {  	[tilespmem:s11], [sflag:$0x1] =	stream.indirect_vreg.gather [hbm4b:s2+s3], $0x80, v6, vm0, $0xb8;
	[tilespmem:$0x7080] =	vst v63  }
0x34: {  	_ = 	snop  }
0x35: {  	[tilespmem:s12], [sflag:$0x1] =	stream.indirect_vreg.gather [hbm4b:s2+s3], $0x80, v5, vm0, $0xb8;
	[tilespmem:$0x7080] =	vst v63  }
0x36: {  	v5 =	vld [tilespmem:$0x1020];
	_ =	sdelay $0x4  }
0x37: {  	v6 =	vshll.u32 v5, $0x1  }
0x38: {  	v5 =	vand.u32 $0x7, v5;
	v6 =	vand.u32 $0xFFFFFFF0, v6  }
0x39: {  	v5 =	vor.u32 v5, v6  }
0x3a: {  	v6 =	vperm.xlane v5, v2;
	_ =	sdelay $0x1  }
0x3b: {  	v5 =	vperm.xlane v5, v4;
	v6 =	vadd.s32 v3, v6;
	_ =	sdelay $0x1  }
0x3c: {  	v5 =	vadd.s32 v3, v5;
	_ =	sdelay $0x2  }
0x3d: {  	[tilespmem:s13], [sflag:$0x1] =	stream.indirect_vreg.gather [hbm4b:s2+s3], $0x80, v6, vm0, $0xb8;
	[tilespmem:$0x7080] =	vst v63  }
0x3e: {  	_ = 	snop  }
0x3f: {  	[tilespmem:s14], [sflag:$0x1] =	stream.indirect_vreg.gather [hbm4b:s2+s3], $0x80, v5, vm0, $0xb8;
	[tilespmem:$0x7080] =	vst v63  }
0x40: {  	v5 =	vld [tilespmem:$0x1030];
	_ =	sdelay $0x4  }
0x41: {  	v6 =	vshll.u32 v5, $0x1  }
0x42: {  	v5 =	vand.u32 $0x7, v5;
	v6 =	vand.u32 $0xFFFFFFF0, v6  }
0x43: {  	v5 =	vor.u32 v5, v6  }
0x44: {  	v6 =	vperm.xlane v5, v2;
	_ =	sdelay $0x1  }
0x45: {  	v5 =	vperm.xlane v5, v4;
	v6 =	vadd.s32 v3, v6;
	_ =	sdelay $0x1  }
0x46: {  	v5 =	vadd.s32 v3, v5;
	_ =	sdelay $0x2  }
0x47: {  	[tilespmem:s15], [sflag:$0x1] =	stream.indirect_vreg.gather [hbm4b:s2+s3], $0x80, v6, vm0, $0xb8;
	[tilespmem:$0x7080] =	vst v63  }
0x48: {  	_ = 	snop  }
0x49: {  	[tilespmem:s16], [sflag:$0x1] =	stream.indirect_vreg.gather [hbm4b:s2+s3], $0x80, v5, vm0, $0xb8;
	[tilespmem:$0x7080] =	vst v63  }
0x4a: {  	v5 =	vld [tilespmem:$0x1040];
	_ =	sdelay $0x4  }
0x4b: {  	v6 =	vshll.u32 v5, $0x1  }
0x4c: {  	v5 =	vand.u32 $0x7, v5;
	v6 =	vand.u32 $0xFFFFFFF0, v6  }
0x4d: {  	v5 =	vor.u32 v5, v6  }
0x4e: {  	v6 =	vperm.xlane v5, v2;
	_ =	sdelay $0x1  }
0x4f: {  	v5 =	vperm.xlane v5, v4;
	v6 =	vadd.s32 v3, v6;
	_ =	sdelay $0x1  }
0x50: {  	v5 =	vadd.s32 v3, v5;
	_ =	sdelay $0x2  }
0x51: {  	[tilespmem:s17], [sflag:$0x1] =	stream.indirect_vreg.gather [hbm4b:s2+s3], $0x80, v6, vm0, $0xb8;
	[tilespmem:$0x7080] =	vst v63  }
0x52: {  	_ = 	snop  }
0x53: {  	[tilespmem:s18], [sflag:$0x1] =	stream.indirect_vreg.gather [hbm4b:s2+s3], $0x80, v5, vm0, $0xb8;
	[tilespmem:$0x7080] =	vst v63  }
0x54: {  	v5 =	vld [tilespmem:$0x1050];
	_ =	sdelay $0x4  }
0x55: {  	v6 =	vshll.u32 v5, $0x1  }
0x56: {  	v5 =	vand.u32 $0x7, v5;
	v6 =	vand.u32 $0xFFFFFFF0, v6  }
0x57: {  	v5 =	vor.u32 v5, v6  }
0x58: {  	v6 =	vperm.xlane v5, v2;
	_ =	sdelay $0x1  }
0x59: {  	v5 =	vperm.xlane v5, v4;
	v6 =	vadd.s32 v3, v6;
	_ =	sdelay $0x1  }
0x5a: {  	v5 =	vadd.s32 v3, v5;
	_ =	sdelay $0x2  }
0x5b: {  	[tilespmem:s19], [sflag:$0x1] =	stream.indirect_vreg.gather [hbm4b:s2+s3], $0x80, v6, vm0, $0xb8;
	[tilespmem:$0x7080] =	vst v63  }
0x5c: {  	_ = 	snop  }
0x5d: {  	[tilespmem:s20], [sflag:$0x1] =	stream.indirect_vreg.gather [hbm4b:s2+s3], $0x80, v5, vm0, $0xb8;
	[tilespmem:$0x7080] =	vst v63  }
0x5e: {  	s22 =	sadd.s32 $0x1, s22;
	_ =	swait.ge [sflag:s21], $0x6000  }
0x5f: {  	p0 =	sne.s32 s22, s6;
	[sflag:s21] =	ssyncset.done $0x0  }
.Ltmp1:
0x60: {  	[sflag:s21] =	ssyncadd.s32 $0xFFFFA000;
	(pc) =	sbr.rel @p0 .LBB2_1-.Ltmp1, $4  }
0x61: {  	[hbm4b:s5+s3] =	stream.linear.scatter [tilespmem:s9], [sflag:$0x2], $0x6000, $0x38;
	[tilespmem:$0x7080] =	vst v63  }
0x62: {  	_ =	swait.ge [sflag:s7], $0x6000  }
0x63: {  	[sflag:s7] =	ssyncset.done $0x0  }
0x64: {  	[sflag:s7] =	ssyncadd.s32 $0xFFFFA000  }
0x65: {  	_ =	sfence.sel $0x180000  }
0x66: {  	[bflag:$0x0] =	sbarrier.arrive $0xFFFF  }
0x67: {  	p0 =	sne.s32 s0, $0x0;
	_ =	strace $0x9000004A  }
0x68: {  	s0 =	sadd.s32 @!p0 $0x100000, s1;
	[bflag:$0x2] =	sbarrier.arrive $0xFFFF  }
0x69: {  	[sflag:s0] =	ssyncadd.tile.s32 @!p0 $0x1;
	_ =	shalt  }
.Lfunc_end2:
_tile_overlayer_lowered:
.L_overlay_start_2:
0x6a: {  	(tag) =	ssettag $0x2  }
0x6b: {  	s0 =	rddreg [dreg:$0x0];
	s2 =	stileid.u32  }
0x6c: {  	s1 =	rddreg [dreg:$0x1];
	p0 =	sne.s32 s2, $0x0  }
0x6d: {  	s3 =	rddreg [dreg:$0x2];
	[bflag:$0x3] =	sbarrier.arrive $0xFFFF;
	s2 =	simm.s32 @!p0 $0x1C02  }
0x6e: {  	[timem:s3], [sflag:s2] =	dma.local @!p0 [hbm:s0], s1  }
0x6f: {  	s0 =	simm.s32 @!p0 $0x2  }
0x70: {  	_ =	swait.ge @!p0 [sflag:s0], s1  }
0x71: {  	s1 =	ssub.s32 @!p0 $0x0, s1;
	[sflag:s0] =	ssyncset.done @!p0 $0x0  }
0x72: {  	[sflag:s0] =	ssyncadd.s32 @!p0 s1  }
0x73: {  	[bflag:$0x3] =	sbarrier.arrive $0xFFFF  }
0x74: {  	_ =	shalt  }

// kernel: kernel.9.cloned.1.call-start
scs
__scs_entry_jumppad:
0x0: {  	(pc) =	sbr.rel $0x88, $3  }
0x1: {  	(tag) =	ssettag $0x0;
	lr =	simm.s32 $0x1  }
0x2: {  	[smem:$0x3F98] =	sst lr;
	_ =	strace $0xD0000000  }
0x3: {  	_ = 	snop  }
0x4: {  	_ = 	snop  }
0x5: {  	_ = 	snop  }
0x6: {  	_ = 	snop  }
0x7: {  	_ = 	snop  }
__scs_overlays_trampoline_lowered:
0x8: {  	[smem:$0x3FA7] =	sst s0  }
0x9: {  	[smem:$0x3FA8] =	sst s1  }
0xa: {  	[smem:$0x3FA9] =	sst s2  }
0xb: {  	[smem:$0x3FAA] =	sst s3  }
0xc: {  	[smem:$0x3FAB] =	sst s4  }
0xd: {  	[smem:$0x3FAC] =	sst s5  }
0xe: {  	[smem:$0x3FAD] =	sst s6  }
0xf: {  	[smem:$0x3FAE] =	sst s7  }
0x10: {  	[smem:$0x3FAF] =	sst s8  }
0x11: {  	[smem:$0x3FB0] =	sst s9;
	s0 =	simm.s32 @!p0 $0x0  }
0x12: {  	s1 =	sld [smem:$0x3F96];
	s0 =	simm.s32 @p0 $0x1  }
0x13: {  	[smem:$0x3FB1] =	sst s0;
	s0 =	simm.s32 @!p1 $0x0  }
0x14: {  	s2 =	sld [smem:$0x3F95];
	s0 =	simm.s32 @p1 $0x1  }
0x15: {  	[smem:$0x3FB2] =	sst s0;
	s0 =	simm.s32 @!p2 $0x0  }
0x16: {  	s3 =	sld [smem:$0x3FDB];
	s0 =	simm.s32 @p2 $0x1  }
0x17: {  	s4 =	simm.s32 $0x1BF5;
	[smem:$0x3FB4] =	sst s0  }
0x18: {  	s0 =	sld [smem:$0x3F97];
	_ =	swait.ge [sflag:s4], $0x0  }
0x19: {  	s7 =	sld [smem:$0x3F98]  }
0x1a: {  	s8 =	sadd.s32 $0xFFFFE003, lr  }
0x1b: {  	s9 =	sadd.s32 $0xFFFFFEF7, lr;
	s5 =	simm.s32 $0xFFFFFFFF;
	p2 =	slt.u32 s8, $0xFFFFF086  }
0x1c: {  	p1 =	slt.u32 s9, $0xF7A;
	s5 =	simm.s32 @!p2 $0x0  }
0x1d: {  	s5 =	simm.s32 @p1 $0x1;
	p0 =	seq.s32 s7, s2  }
0x1e: {  	s7 =	smul.u32 @!p0 $0xF7A, s2;
	p2 =	seq.s32 @!p0 s5, $0x0  }
0x1f: {  	s9 =	smul.u32 $0xF7A, s1;
	s8 =	simm.s32 @!p0 $0x1BF5;
	p2 =	por !p2, p0  }
0x20: {  	[sflag:s8] =	ssyncset.s32 @!p0 $0xFFFFF086;
	s6 =	sadd.s32 @!p0 s3, s7;
	s7 =	simm.s32 @!p0 $0x108  }
0x21: {  	s3 =	sadd.s32 s3, s9;
	s6 =	sadd.s32 @!p0 $0x88, s6;
	s7 =	simm.s32 @p2 $0x1082  }
0x22: {  	[simem:s7], [sflag:s8] =	dma.local @!p0 [hbm:s6], $0xF7A  }
0x23: {  	s9 =	sor.u32 $0xD0000000, s2;
	s6 =	simm.s32 $0x108;
	_ =	swait.ge @!p0 [sflag:s8], $0x0  }
0x24: {  	s3 =	sadd.s32 $0x88, s3;
	s6 =	simm.s32 @!p1 $0x1082;
	[sflag:s4] =	ssyncset.s32 $0xFFFFF086  }
0x25: {  	[simem:s6], [sflag:s4] =	dma.local [hbm:s3], $0xF7A  }
0x26: {  	[smem:$0x3F98] =	sst s1;
	(tag) =	ssettag s2;
	_ =	strace s9  }
0x27: {  	s1 =	sld [smem:$0x3FA8]  }
0x28: {  	s2 =	sld [smem:$0x3FA9]  }
0x29: {  	s4 =	sld [smem:$0x3FAB]  }
0x2a: {  	p0 =	seq.s32 s5, $0x0;
	s5 =	sld [smem:$0x3FAC]  }
0x2b: {  	s6 =	sld [smem:$0x3FAD]  }
0x2c: {  	s7 =	sld [smem:$0x3FAE]  }
0x2d: {  	s3 =	simm.s32 $0x108;
	s8 =	sld [smem:$0x3FAF]  }
0x2e: {  	s3 =	simm.s32 @!p0 $0x1082;
	s9 =	sld [smem:$0x3FB0]  }
0x2f: {  	lr =	sadd.s32 s0, s3;
	s0 =	sld [smem:$0x3FA7]  }
0x30: {  	s3 =	sld [smem:$0x3FAA]  }
0x31: {  	[smem:$0x3FB3] =	sst s10  }
0x32: {  	s10 =	sld [smem:$0x3FB1];
	_ =	sdelay $0x3  }
0x33: {  	p0 =	seq.s32 s10, $0x1;
	s10 =	sld [smem:$0x3FB3];
	_ =	sdelay $0x3  }
0x34: {  	[smem:$0x3FB3] =	sst s10  }
0x35: {  	s10 =	sld [smem:$0x3FB2];
	_ =	sdelay $0x3  }
0x36: {  	p1 =	seq.s32 s10, $0x1;
	s10 =	sld [smem:$0x3FB3];
	_ =	sdelay $0x3  }
0x37: {  	[smem:$0x3FB3] =	sst s10  }
0x38: {  	s10 =	sld [smem:$0x3FB4]  }
0x39: {  	_ = 	snop;
	(pc) =	sbr.ind lr, $3  }
0x3a: {  	_ = 	snop  }
0x3b: {  	_ = 	snop  }
0x3c: {  	p2 =	seq.s32 s10, $0x1;
	s10 =	sld [smem:$0x3FB3]  }
0x3d: {  	_ =	shalt  }
0x3e: {  	_ =	shalt  }
0x3f: {  	_ =	shalt  }
0x40: {  	_ =	shalt  }
0x41: {  	_ =	shalt  }
0x42: {  	_ =	shalt  }
0x43: {  	_ =	shalt  }
0x44: {  	_ =	shalt  }
0x45: {  	_ =	shalt  }
0x46: {  	_ =	shalt  }
0x47: {  	_ =	shalt  }
0x48: {  	_ =	shalt  }
0x49: {  	_ =	shalt  }
0x4a: {  	_ =	shalt  }
0x4b: {  	_ =	shalt  }
0x4c: {  	_ =	shalt  }
0x4d: {  	_ =	shalt  }
0x4e: {  	_ =	shalt  }
0x4f: {  	_ =	shalt  }
0x50: {  	_ =	shalt  }
0x51: {  	_ =	shalt  }
0x52: {  	_ =	shalt  }
0x53: {  	_ =	shalt  }
0x54: {  	_ =	shalt  }
0x55: {  	_ =	shalt  }
0x56: {  	_ =	shalt  }
0x57: {  	_ =	shalt  }
0x58: {  	_ =	shalt  }
0x59: {  	_ =	shalt  }
0x5a: {  	_ =	shalt  }
0x5b: {  	_ =	shalt  }
0x5c: {  	_ =	shalt  }
0x5d: {  	_ =	shalt  }
0x5e: {  	_ =	shalt  }
0x5f: {  	_ =	shalt  }
0x60: {  	_ =	shalt  }
0x61: {  	_ =	shalt  }
0x62: {  	_ =	shalt  }
0x63: {  	_ =	shalt  }
0x64: {  	_ =	shalt  }
0x65: {  	_ =	shalt  }
0x66: {  	_ =	shalt  }
0x67: {  	_ =	shalt  }
0x68: {  	_ =	shalt  }
0x69: {  	_ =	shalt  }
0x6a: {  	_ =	shalt  }
0x6b: {  	_ =	shalt  }
0x6c: {  	_ =	shalt  }
0x6d: {  	_ =	shalt  }
0x6e: {  	_ =	shalt  }
0x6f: {  	_ =	shalt  }
0x70: {  	_ =	shalt  }
0x71: {  	_ =	shalt  }
0x72: {  	_ =	shalt  }
0x73: {  	_ =	shalt  }
0x74: {  	_ =	shalt  }
0x75: {  	_ =	shalt  }
0x76: {  	_ =	shalt  }
0x77: {  	_ =	shalt  }
0x78: {  	_ =	shalt  }
0x79: {  	_ =	shalt  }
0x7a: {  	_ =	shalt  }
0x7b: {  	_ =	shalt  }
0x7c: {  	_ =	shalt  }
0x7d: {  	_ =	shalt  }
0x7e: {  	_ =	shalt  }
0x7f: {  	_ =	shalt  }
0x80: {  	_ =	shalt  }
0x81: {  	_ =	shalt  }
0x82: {  	_ =	shalt  }
0x83: {  	_ =	shalt  }
0x84: {  	_ =	shalt  }
0x85: {  	_ =	shalt  }
0x86: {  	_ =	shalt  }
0x87: {  	_ =	shalt  }
.Lfunc_end0:
.L_simem_size_0:
called_computation.1_lowered:
.L_overlay_start_0:
0x88: {  	s2 =	sld [smem:$0x3FD9]  }
0x89: {  	s3 =	sld [smem:$0x3FFE];
	_ =	sdelay $0x1  }
0x8a: {  	s1 =	srdreg.scid  }
0x8b: {  	s0 =	sand.u32 $0x1, s1  }
0x8c: {  	s17 =	sshll.u32 s0, $0xA;
	s2 =	sadd.s32 s3, s2  }
0x8d: {  	s2 =	sadd.s32 s2, s17  }
0x8e: {  	[smem:$0x3FBF] =	sst s2  }
0x8f: {  	_ = 	snop  }
0x90: {  	s2 =	sld [smem:$0x3FC6]  }
0x91: {  	s18 =	sld [smem:$0x3FD0];
	(tm) =	ssettm $0x1  }
0x92: {  	s4 =	sld [smem:$0x3FFB];
	_ =	sdelay $0x3  }
0x93: {  	_ =	strace s4  }
0x94: {  	s4 =	sld [smem:$0x3FFC];
	_ =	sdelay $0x3  }
0x95: {  	_ =	strace s4  }
0x96: {  	s4 =	sld [smem:$0x3FFD];
	_ =	sdelay $0x3  }
0x97: {  	_ =	strace s4  }
0x98: {  	_ =	strace $0x8FFFFFFF  }
0x99: {  	s19 =	sld [smem:$0x3FDB];
	_ =	sdelay $0x1  }
0x9a: {  	s5 =	simm.s32 $_scs_section_size  }
0x9b: {  	s6 =	simm.s32 $_size__tile_overlayer_lowered;
	s7 =	simm.s32 $_tile_overlayer_lowered  }
0x9c: {  	s22 =	simm.s32 $0x1BFF;
	s21 =	sshll.u32 s7, $0x1;
	s4 =	sadd.s32 s5, s19  }
0x9d: {  	s8 =	simm.s32 $0x0;
	s20 =	sshll.u32 s6, $0x1;
	s6 =	sadd.s32 s21, s4  }
0x9e: {  	[timem:s8], [sflag:s22] =	dma.local [hbm:s6], s20  }
0x9f: {  	_ =	swait.ge [sflag:s22], s20  }
0xa0: {  	s5 =	ssub.s32 $0x0, s20;
	[sflag:s22] =	ssyncset.done $0x0  }
0xa1: {  	[sflag:s22] =	ssyncadd.s32 s5;
	_ =	sdelay $0x1  }
0xa2: {  	s23 =	simm.s32 $0x1B8B  }
0xa3: {  	_ =	swait.ge [sflag:s23], $0x1  }
0xa4: {  	[sflag:s23] =	ssyncset.done $0x0  }
0xa5: {  	s25 =	simm.s32 $0x1B8E;
	s24 =	sld [smem:$0x3FFE];
	[sflag:s23] =	ssyncadd.s32 $0xFFFFFFFF  }
0xa6: {  	s26 =	simm.s32 $execute0_lowered;
	[smem:$0x3FD2] =	sst s25  }
0xa7: {  	s6 =	sshll.u32 s26, $0x1;
	_ =	strace $0x80000046;
	[dreg:$0x1] =	wrdreg $0xFFFFFFFF  }
0xa8: {  	s28 =	simm.s32 $_size_execute0_lowered;
	s4 =	sadd.s32 s4, s6;
	[dreg:$0x0] =	wrdreg $0x0  }
0xa9: {  	s6 =	sshll.u32 s28, $0x1;
	[dreg:$0x2] =	wrdreg s4  }
0xaa: {  	[dreg:$0x3] =	wrdreg s6  }
0xab: {  	[dreg:$0x4] =	wrdreg $0xC0  }
0xac: {  	_ =	task [dreg:s8], $0x5FFFF  }
0xad: {  	[dreg:$0x1] =	wrdreg $0xFFFFFFFF  }
0xae: {  	[dreg:$0x0] =	wrdreg $0x60  }
0xaf: {  	[dreg:$0x2] =	wrdreg s2  }
0xb0: {  	[dreg:$0x3] =	wrdreg s24  }
0xb1: {  	[dreg:$0x4] =	wrdreg s18  }
0xb2: {  	[dreg:$0x5] =	wrdreg $0xA  }
0xb3: {  	_ =	task.clear_ibuf [dreg:s8], $0x6FFFF;
	_ =	strace $0x90000046  }
0xb4: {  	s29 =	simm.s32 $0xA;
	_ =	strace $0x80000048  }
0xb5: {  	_ =	swait.ge [sflag:s29], $0x1  }
0xb6: {  	[sflag:s29] =	ssyncadd.s32 $0xFFFFFFFF  }
0xb7: {  	_ =	strace $0x90000048  }
0xb8: {  	_ =	sfence  }
0xb9: {  	s30 =	sld [smem:$0x0];
	_ =	sdelay $0x2  }
0xba: {  	s31 =	sshll.u32 s1, $0xD;
	s1 =	sshrl.u32 s1, $0x2  }
0xbb: {  	s3 =	sand.u32 $0x4000, s31;
	s1 =	sadd.s32 s1, s30  }
0xbc: {  	s0 =	sor.u32 s3, s0;
	s1 =	sshll.u32 s1, $0x11  }
0xbd: {  	s0 =	sor.u32 s1, s0  }
0xbe: {  	s0 =	sadd.s32 $0x8F2B, s0  }
0xbf: {  	[sflag:s0] =	ssyncadd.remote.s32 $0x1  }
0xc0: {  	_ =	sfence.sel $0xFFFF  }
0xc1: {  	[dreg:$0x0] =	wrdreg $0xFFFFFFFF;
	(pc) =	sbr.abs _section_cstart, $3  }
0xc2: {  	[dreg:$0x1] =	wrdreg $0xFFFFFFFF  }
0xc3: {  	_ =	task.clear_ibuf [dreg:s8], $0x2FFFF;
	_ =	strace $0x9FFFFFFF  }
0xc4: {  	(tm) =	ssettm $0x7FFFFFFF  }
0xc5: {  	_ =	shalt  }
tec
execute0_lowered:
.L_overlay_start_1:
0x0: {  	(tag) =	ssettag $0x1  }
0x1: {  	s1 =	rddreg [dreg:$0x0]  }
0x2: {  	s4 =	rddreg [dreg:$0x1]  }
0x3: {  	s5 =	rddreg [dreg:$0x2]  }
0x4: {  	s0 =	rddreg [dreg:$0x3]  }
0x5: {  	s6 =	srdreg.scid;
	s3 =	simm.s32 $0x0;
	s2 =	stileid.u32  }
0x6: {  	s11 =	simm.s32 $0x880;
	s12 =	simm.s32 $0x1080;
	s13 =	simm.s32 $0x1880  }
0x7: {  	s14 =	simm.s32 $0x3;
	s15 =	simm.s32 $0x2;
	s16 =	simm.s32 $0x4  }
0x8: {  	s17 =	simm.s32 $0x0;
	s6 =	sand.u32 $0x1, s6;
	[smem:$0x7FF] =	sst s3  }
0x9: {  	s7 =	sshll.u32 s2, $0x6;
	s8 =	sshll.u32 s6, $0x5;
	s6 =	ssub.s32 $0x2, s6  }
0xa: {  	_ =	strace $0x80000047;
	s7 =	sor.u32 s8, s7;
	s31 =	sshrl.u32 s6, $0x1  }
0xb: {  	s8 =	sshrl.u32 s7, $0x3;
	s7 =	sshll.u32 s7, $0x5;
	s10 =	ssub.s32 s6, s31  }
0xc: {  	v2 =	vlaneseq.u32;
	s8 =	sadd.s32 s8, s4;
	s9 =	sadd.s32 s7, s4;
	s5 =	sadd.s32 s5, s7  }
0xd: {  	vm0 =	vmmov $0xffff;
	v1 =	vshrl.u32 v2, $0x3;
	s7 =	smax.u32 s10, $0x1;
	s10 =	simm.s32 $0x80;
	s4 =	sadd.s32 $0x1400, s8  }
0xe: {  	v0 =	vand.u32 $0x7, v2;
	v2 =	vor.u32 $0x8, v2;
	v1 =	vmul.u32 $0x8, v1;
	s6 =	sadd.s32 $0x1600, s9;
	s8 =	simm.s32 $0x2080;
	s9 =	simm.s32 $0x1  }
.LBB2_1:
0xf: {  	[tilespmem:s3], [sflag:$0x1] =	stream.linear.gather [hbm4b:s4+s3], $0x20, $0x38;
	[tilespmem:$0x4080] =	vst v63  }
0x10: {  	_ = 	snop  }
0x11: {  	[tilespmem:s8], [sflag:$0x2] =	stream.linear.gather [hbm4b:s5+s3], $0x2000, $0x38;
	[tilespmem:$0x4080] =	vst v63  }
0x12: {  	_ =	swait.ge [sflag:s9], $0x20  }
0x13: {  	[sflag:s9] =	ssyncset.done $0x0  }
0x14: {  	[sflag:s9] =	ssyncadd.s32 $0xFFFFFFE0  }
0x15: {  	v3 =	vld [tilespmem:$0x0];
	_ =	sdelay $0x4  }
0x16: {  	v4 =	vshll.u32 v3, $0x1  }
0x17: {  	v3 =	vand.u32 $0x7, v3;
	v4 =	vand.u32 $0xFFFFFFF0, v4  }
0x18: {  	v3 =	vor.u32 v3, v4  }
0x19: {  	v4 =	vperm.xlane v3, v0;
	_ =	sdelay $0x1  }
0x1a: {  	v3 =	vperm.xlane v3, v2;
	v4 =	vadd.s32 v1, v4;
	_ =	sdelay $0x1  }
0x1b: {  	v3 =	vadd.s32 v1, v3;
	_ =	sdelay $0x2  }
0x1c: {  	[tilespmem:s10], [sflag:$0x3] =	stream.indirect_vreg.gather [hbm4b:s1+s3], $0x80, v4, vm0, $0xb8;
	[tilespmem:$0x4080] =	vst v63  }
0x1d: {  	_ = 	snop  }
0x1e: {  	[tilespmem:s11], [sflag:$0x3] =	stream.indirect_vreg.gather [hbm4b:s1+s3], $0x80, v3, vm0, $0xb8;
	[tilespmem:$0x4080] =	vst v63  }
0x1f: {  	v3 =	vld [tilespmem:$0x10];
	_ =	sdelay $0x4  }
0x20: {  	v4 =	vshll.u32 v3, $0x1  }
0x21: {  	v3 =	vand.u32 $0x7, v3;
	v4 =	vand.u32 $0xFFFFFFF0, v4  }
0x22: {  	v3 =	vor.u32 v3, v4  }
0x23: {  	v4 =	vperm.xlane v3, v0;
	_ =	sdelay $0x1  }
0x24: {  	v3 =	vperm.xlane v3, v2;
	v4 =	vadd.s32 v1, v4;
	_ =	sdelay $0x1  }
0x25: {  	v3 =	vadd.s32 v1, v3;
	_ =	sdelay $0x2  }
0x26: {  	[tilespmem:s12], [sflag:$0x3] =	stream.indirect_vreg.gather [hbm4b:s1+s3], $0x80, v4, vm0, $0xb8;
	[tilespmem:$0x4080] =	vst v63  }
0x27: {  	_ = 	snop  }
0x28: {  	[tilespmem:s13], [sflag:$0x3] =	stream.indirect_vreg.gather [hbm4b:s1+s3], $0x80, v3, vm0, $0xb8;
	[tilespmem:$0x4080] =	vst v63  }
0x29: {  	_ =	swait.ge [sflag:s14], $0x2000  }
0x2a: {  	[sflag:s14] =	ssyncset.done $0x0  }
0x2b: {  	[sflag:s14] =	ssyncadd.s32 $0xFFFFE000  }
0x2c: {  	_ =	swait.ge [sflag:s15], $0x2000  }
0x2d: {  	s18 =	sand.u32 $0x1800, s3;
	s19 =	sand.u32 $0x380, s3;
	[sflag:s15] =	ssyncset.done $0x0  }
0x2e: {  	s18 =	sor.u32 s19, s18;
	[sflag:s15] =	ssyncadd.s32 $0xFFFFE000  }
0x2f: {  	v10 =	vld [tilespmem:s18+$0x2080]  }
0x30: {  	v11 =	vld [tilespmem:s18+$0x2090]  }
0x31: {  	v12 =	vld [tilespmem:s18+$0x20A0]  }
0x32: {  	v13 =	vld [tilespmem:s18+$0x20B0]  }
0x33: {  	v14 =	vld [tilespmem:s18+$0x20C0]  }
0x34: {  	v15 =	vld [tilespmem:s18+$0x20D0]  }
0x35: {  	v16 =	vld [tilespmem:s18+$0x20E0]  }
0x36: {  	v17 =	vld [tilespmem:s18+$0x20F0]  }
0x37: {  	v18 =	vld [tilespmem:s18+$0x2480]  }
0x38: {  	v9 =	vld [tilespmem:s18+$0x2490]  }
0x39: {  	v8 =	vld [tilespmem:s18+$0x24A0]  }
0x3a: {  	v7 =	vld [tilespmem:s18+$0x24B0]  }
0x3b: {  	v6 =	vld [tilespmem:s18+$0x24C0]  }
0x3c: {  	v5 =	vld [tilespmem:s18+$0x24D0]  }
0x3d: {  	v4 =	vld [tilespmem:s18+$0x24E0]  }
0x3e: {  	v3 =	vld [tilespmem:s18+$0x24F0]  }
0x3f: {  	v19 =	vld [tilespmem:s18+$0x80]  }
0x40: {  	v20 =	vld [tilespmem:s18+$0x90]  }
0x41: {  	v21 =	vld [tilespmem:s18+$0xA0]  }
0x42: {  	v22 =	vld [tilespmem:s18+$0xB0]  }
0x43: {  	v23 =	vld [tilespmem:s18+$0xC0]  }
0x44: {  	v10 =	vadd.f32 v10, v19;
	v19 =	vld [tilespmem:s18+$0xD0]  }
0x45: {  	v61 =	vld [tilespmem:s18+$0xE0];
	v11 =	vadd.f32 v11, v20  }
0x46: {  	v62 =	vld [tilespmem:s18+$0xF0];
	[tilespmem:s18+$0x80] =	vst v10;
	v10 =	vadd.f32 v12, v21  }
0x47: {  	v63 =	vld [tilespmem:s18+$0x480];
	[tilespmem:s18+$0x90] =	vst v11;
	v11 =	vadd.f32 v13, v22  }
0x48: {  	v13 =	vld [tilespmem:s18+$0x490];
	[tilespmem:s18+$0xA0] =	vst v10;
	v10 =	vadd.f32 v14, v23  }
0x49: {  	v12 =	vld [tilespmem:s18+$0x4A0];
	[tilespmem:s18+$0xB0] =	vst v11;
	v11 =	vadd.f32 v15, v19  }
0x4a: {  	v14 =	vadd.f32 v16, v61;
	[tilespmem:s18+$0xC0] =	vst v10;
	v10 =	vld [tilespmem:s18+$0x4B0]  }
0x4b: {  	v16 =	vadd.f32 v17, v62;
	[tilespmem:s18+$0xD0] =	vst v11;
	v11 =	vld [tilespmem:s18+$0x4C0]  }
0x4c: {  	s20 =	simm.s32 $0x100;
	s19 =	simm.s32 $0x80;
	v15 =	vadd.f32 v18, v63;
	[tilespmem:s18+$0xE0] =	vst v14;
	v14 =	vld [tilespmem:s18+$0x4D0]  }
.LBB2_2:
0x4d: {  	s21 =	sand.u32 $0x1800, s20;
	s22 =	sand.u32 $0x380, s19;
	p0 =	sne.s32 s20, $0x1F00;
	[tilespmem:s18+$0xF0] =	vst v16;
	v9 =	vadd.f32 v9, v13;
	v13 =	vld [tilespmem:s18+$0x4E0]  }
0x4e: {  	s21 =	sor.u32 s22, s21;
	[tilespmem:s18+$0x480] =	vst v15;
	v8 =	vadd.f32 v8, v12;
	v12 =	vld [tilespmem:s18+$0x4F0]  }
0x4f: {  	v15 =	vld [tilespmem:s21+$0x2080];
	[tilespmem:s18+$0x490] =	vst v9;
	v7 =	vadd.f32 v7, v10  }
0x50: {  	v10 =	vld [tilespmem:s21+$0x2090];
	[tilespmem:s18+$0x4A0] =	vst v8;
	v6 =	vadd.f32 v6, v11  }
0x51: {  	v11 =	vld [tilespmem:s21+$0x20A0];
	[tilespmem:s18+$0x4B0] =	vst v7;
	v5 =	vadd.f32 v5, v14  }
0x52: {  	v14 =	vld [tilespmem:s21+$0x20B0];
	[tilespmem:s18+$0x4C0] =	vst v6;
	v4 =	vadd.f32 v4, v13  }
0x53: {  	v13 =	vld [tilespmem:s21+$0x20C0];
	[tilespmem:s18+$0x4D0] =	vst v5;
	v3 =	vadd.f32 v3, v12  }
0x54: {  	v12 =	vld [tilespmem:s21+$0x20D0];
	[tilespmem:s18+$0x4E0] =	vst v4  }
0x55: {  	v16 =	vld [tilespmem:s21+$0x20E0];
	[tilespmem:s18+$0x4F0] =	vst v3;
	s18 =	smov.u32 s21  }
0x56: {  	v17 =	vld [tilespmem:s18+$0x20F0]  }
0x57: {  	v18 =	vld [tilespmem:s18+$0x2480]  }
0x58: {  	v9 =	vld [tilespmem:s18+$0x2490]  }
0x59: {  	v8 =	vld [tilespmem:s18+$0x24A0]  }
0x5a: {  	v7 =	vld [tilespmem:s18+$0x24B0]  }
0x5b: {  	v6 =	vld [tilespmem:s18+$0x24C0]  }
0x5c: {  	v5 =	vld [tilespmem:s18+$0x24D0]  }
0x5d: {  	v4 =	vld [tilespmem:s18+$0x24E0]  }
0x5e: {  	v3 =	vld [tilespmem:s18+$0x24F0]  }
0x5f: {  	v19 =	vld [tilespmem:s18+$0x80]  }
0x60: {  	v20 =	vld [tilespmem:s18+$0x90]  }
0x61: {  	v21 =	vld [tilespmem:s18+$0xA0]  }
0x62: {  	v22 =	vld [tilespmem:s18+$0xB0]  }
0x63: {  	v23 =	vld [tilespmem:s18+$0xC0]  }
0x64: {  	v15 =	vadd.f32 v15, v19;
	v19 =	vld [tilespmem:s18+$0xD0]  }
0x65: {  	v10 =	vadd.f32 v10, v20;
	v20 =	vld [tilespmem:s18+$0xE0]  }
0x66: {  	[tilespmem:s18+$0x80] =	vst v15;
	v11 =	vadd.f32 v11, v21;
	v15 =	vld [tilespmem:s18+$0xF0]  }
0x67: {  	[tilespmem:s18+$0x90] =	vst v10;
	v10 =	vadd.f32 v14, v22;
	v14 =	vld [tilespmem:s18+$0x480]  }
.Ltmp0:
0x68: {  	[tilespmem:s18+$0xA0] =	vst v11;
	v11 =	vadd.f32 v13, v23;
	v13 =	vld [tilespmem:s18+$0x490];
	(pc) =	sbr.rel @p0 .LBB2_2-.Ltmp0, $4  }
0x69: {  	[tilespmem:s18+$0xB0] =	vst v10;
	v19 =	vadd.f32 v12, v19;
	v12 =	vld [tilespmem:s18+$0x4A0]  }
0x6a: {  	[tilespmem:s18+$0xC0] =	vst v11;
	v20 =	vadd.f32 v16, v20;
	v10 =	vld [tilespmem:s18+$0x4B0]  }
0x6b: {  	[tilespmem:s18+$0xD0] =	vst v19;
	v16 =	vadd.f32 v17, v15;
	v11 =	vld [tilespmem:s18+$0x4C0]  }
0x6c: {  	s19 =	sadd.s32 $0x80, s19;
	s20 =	sadd.s32 $0x100, s20;
	[tilespmem:s18+$0xE0] =	vst v20;
	v15 =	vadd.f32 v18, v14;
	v14 =	vld [tilespmem:s18+$0x4D0]  }
0x6d: {  	[tilespmem:s18+$0xF0] =	vst v16;
	v9 =	vadd.f32 v9, v13;
	v62 =	vld [tilespmem:s18+$0x4E0]  }
0x6e: {  	v63 =	vld [tilespmem:s18+$0x4F0];
	[tilespmem:s18+$0x480] =	vst v15;
	v8 =	vadd.f32 v8, v12  }
0x6f: {  	[tilespmem:s18+$0x490] =	vst v9;
	v7 =	vadd.f32 v7, v10  }
0x70: {  	[tilespmem:s18+$0x4A0] =	vst v8;
	v6 =	vadd.f32 v6, v11  }
0x71: {  	[tilespmem:s18+$0x4B0] =	vst v7;
	v5 =	vadd.f32 v5, v14  }
0x72: {  	[tilespmem:s18+$0x4C0] =	vst v6;
	v4 =	vadd.f32 v4, v62  }
0x73: {  	s17 =	sadd.s32 $0x1, s17;
	v3 =	vadd.f32 v3, v63;
	[tilespmem:s18+$0x4D0] =	vst v5  }
0x74: {  	p0 =	sne.s32 s17, s7;
	[tilespmem:s18+$0x4E0] =	vst v4  }
.Ltmp1:
0x75: {  	[tilespmem:s18+$0x4F0] =	vst v3;
	(pc) =	sbr.rel @p0 .LBB2_1-.Ltmp1, $4  }
0x76: {  	[hbm4b:s6+s3] =	stream.linear.scatter [tilespmem:s10], [sflag:$0x4], $0x2000, $0x38;
	[tilespmem:$0x4080] =	vst v63  }
0x77: {  	_ =	swait.ge [sflag:s16], $0x2000  }
0x78: {  	[sflag:s16] =	ssyncset.done $0x0  }
0x79: {  	[sflag:s16] =	ssyncadd.s32 $0xFFFFE000  }
0x7a: {  	_ =	sfence.sel $0x180000  }
0x7b: {  	[bflag:$0x0] =	sbarrier.arrive $0xFFFF  }
0x7c: {  	p0 =	sne.s32 s2, $0x0;
	_ =	strace $0x90000047  }
0x7d: {  	s0 =	sadd.s32 @!p0 $0x100000, s0;
	[bflag:$0x2] =	sbarrier.arrive $0xFFFF  }
0x7e: {  	[sflag:s0] =	ssyncadd.tile.s32 @!p0 $0x1;
	_ =	shalt  }
.Lfunc_end2:
_tile_overlayer_lowered:
.L_overlay_start_2:
0x7f: {  	(tag) =	ssettag $0x2  }
0x80: {  	s0 =	rddreg [dreg:$0x0];
	s2 =	stileid.u32  }
0x81: {  	s1 =	rddreg [dreg:$0x1];
	p0 =	sne.s32 s2, $0x0  }
0x82: {  	s3 =	rddreg [dreg:$0x2];
	[bflag:$0x3] =	sbarrier.arrive $0xFFFF;
	s2 =	simm.s32 @!p0 $0x1C04  }
0x83: {  	[timem:s3], [sflag:s2] =	dma.local @!p0 [hbm:s0], s1  }
0x84: {  	s0 =	simm.s32 @!p0 $0x4  }
0x85: {  	_ =	swait.ge @!p0 [sflag:s0], s1  }
0x86: {  	s1 =	ssub.s32 @!p0 $0x0, s1;
	[sflag:s0] =	ssyncset.done @!p0 $0x0  }
0x87: {  	[sflag:s0] =	ssyncadd.s32 @!p0 s1  }
0x88: {  	[bflag:$0x3] =	sbarrier.arrive $0xFFFF  }
0x89: {  	_ =	shalt  }

</sc_bundles>
